<compile_context>
chip_gen: v7x
topology: tpu7x:2x2x1
jax: 0.10.2.dev20260603
libtpu: 0.0.44.dev20260713+nightly
codegen_flags: <defaults>
</compile_context>

<pallas_src>
import jax
import jax.numpy as jnp
import numpy as np
from jax import lax
from jax.experimental import pallas as pl
from jax.experimental.pallas import tpu as pltpu
from jax.experimental.pallas import tpu_sc as plsc

_B, _N, _C, _H, _K = 1, 2048, 768, 12, 35
_D = _C // _H
_KP = 40
_G = _KP // 8
_CHALF = _C // 2
_SCALE = 1.0 / np.sqrt(_D)

_PROJ_NB = 256
_ATTN_NB = 64

_SC_NC = 2
_SC_NS = 16
_NW = _SC_NC * _SC_NS
_MSC = 1280
_MTC = _N - _MSC
_NIDX = _MSC * _KP
_CH = 128


def _pack_bf16_pair(hi_f32, lo_f32):
    hi = lax.bitcast_convert_type(hi_f32, jnp.int32)
    lo = lax.bitcast_convert_type(lo_f32, jnp.int32)
    hi = (hi + 0x8000) & jnp.int32(-65536)
    lo = ((lo + 0x8000) >> 16) & jnp.int32(0xFFFF)
    return hi | lo


def _unpack_hi(packed):
    return lax.bitcast_convert_type(packed & jnp.int32(-65536), jnp.float32)


def _unpack_lo(packed):
    return lax.bitcast_convert_type(packed << 16, jnp.float32)


def _proj_body(xq_ref, xk_ref, xv_ref, wq_ref, bq_ref, wq1_ref, bq1_ref,
               wk_ref, bk_ref, wv_ref, bv_ref,
               q_ref, q1_ref, kbf_ref, vbf_ref, vp_ref):
    xq = xq_ref[...]
    q_ref[...] = jnp.dot(xq, wq_ref[...], preferred_element_type=jnp.float32) + bq_ref[...]
    q1_ref[...] = jnp.dot(xq, wq1_ref[...], preferred_element_type=jnp.float32) + bq1_ref[...]
    k = jnp.dot(xk_ref[...], wk_ref[...], preferred_element_type=jnp.float32) + bk_ref[...]
    v = jnp.dot(xv_ref[...], wv_ref[...], preferred_element_type=jnp.float32) + bv_ref[...]
    kbf_ref[...] = k.astype(jnp.bfloat16)
    vbf_ref[...] = v.astype(jnp.bfloat16)
    vp_ref[...] = _pack_bf16_pair(v[:, :_CHALF], v[:, _CHALF:])


def _sc_gather_body(vp_hbm, idx_hbm, out_hbm):
    def body(i_vmem, o_vmem):
        pltpu.sync_copy(vp_hbm.at[i_vmem.at[0]], o_vmem)

    pltpu.emit_pipeline(
        body,
        grid=(_NIDX // _CH,),
        in_specs=[pl.BlockSpec((1, _CH), lambda i: (0, i))],
        out_specs=[pl.BlockSpec((_CH, _CHALF), lambda i: (i, 0))],
        core_axis_name=("c", "s"),
        dimension_semantics=(pltpu.PARALLEL,),
    )(idx_hbm, out_hbm)


def _score_body(q_ref, q1_ref, kall_ref, idx_ref, rpe_ref,
                wp_ref, bp_ref, pool_ref, probs_ref):
    nb = q_ref.shape[0]
    q = q_ref[...]
    q1 = q1_ref[...]
    kall = kall_ref[...]
    wp = wp_ref[...]
    bp = bp_ref[...]
    pool = pool_ref[...]
    iota3 = jax.lax.broadcasted_iota(jnp.int32, (nb, 8, _N), 2)

    def rep8(x):
        return jnp.broadcast_to(x[:, None, :], (nb, 8, _C)).reshape(nb * 8, _C)

    q_rep = rep8(q)
    q1_rep = rep8(q1)

    score_groups = []
    for g in range(_G):
        idx_g = idx_ref[:, g * 8:(g + 1) * 8][:, :, None]
        oh = (iota3 == idx_g).astype(jnp.bfloat16).reshape(nb * 8, _N)
        knb = jnp.dot(oh, kall, preferred_element_type=jnp.float32)
        if g * 8 < _K:
            w = min(8, _K - g * 8)
            rpe_g = rpe_ref[:, g * 8:g * 8 + w, :]
            if w < 8:
                rpe_g = jnp.concatenate(
                    [rpe_g, jnp.zeros((nb, 8 - w, _C), jnp.float32)], axis=1)
            rpe_g = rpe_g.reshape(nb * 8, _C).astype(jnp.bfloat16)
            p_g = jnp.dot(rpe_g, wp, preferred_element_type=jnp.float32) + bp
            ep = jnp.dot(q1_rep * p_g, pool, preferred_element_type=jnp.float32)
        else:
            ep = jnp.zeros((nb * 8, _H), jnp.float32)
        e = jnp.dot(q_rep * knb, pool, preferred_element_type=jnp.float32)
        score_groups.append(((e + ep) * _SCALE).reshape(nb, 8, _H))

    s = jnp.concatenate(score_groups, axis=1)
    kpos = jax.lax.broadcasted_iota(jnp.int32, (nb, _KP, _H), 1)
    s = jnp.where(kpos < _K, s, -1e30)
    m = jnp.max(s, axis=1, keepdims=True)
    ex = jnp.exp(s - m)
    probs_ref[...] = ex / jnp.sum(ex, axis=1, keepdims=True)


def _final_tc_body(vall_ref, idx_ref, pf_ref, poolt_ref, hid_ref, probs_ref):
    nb = pf_ref.shape[0]
    pf = pf_ref[...]
    probs_ref[...] = pf[:, :_K, :]
    vall = vall_ref[...]
    poolt = poolt_ref[...]
    iota3 = jax.lax.broadcasted_iota(jnp.int32, (nb, 8, _N), 2)

    acc = jnp.zeros((nb, _C), dtype=jnp.float32)
    for g in range(_G):
        idx_g = idx_ref[:, g * 8:(g + 1) * 8][:, :, None]
        oh = (iota3 == idx_g).astype(jnp.bfloat16).reshape(nb * 8, _N)
        vnb = jnp.dot(oh, vall, preferred_element_type=jnp.float32)
        pr_g = pf[:, g * 8:(g + 1) * 8, :].reshape(nb * 8, _H)
        w = jnp.dot(pr_g, poolt, preferred_element_type=jnp.float32)
        acc = acc + jnp.sum((w * vnb).reshape(nb, 8, _C), axis=1)
    hid_ref[...] = acc


def _final_body(vnb_ref, pf_ref, ph_ref, plo_ref, hid_ref, probs_ref):
    nb = pf_ref.shape[0]
    pf = pf_ref[...]
    probs_ref[...] = pf[:, :_K, :]
    ph = ph_ref[...]
    plo = plo_ref[...]

    acc_hi = jnp.zeros((nb, _CHALF), dtype=jnp.float32)
    acc_lo = jnp.zeros((nb, _CHALF), dtype=jnp.float32)
    for g in range(_G):
        vnb_g = vnb_ref[:, g * 8:(g + 1) * 8, :].reshape(nb * 8, _CHALF)
        pr_g = pf[:, g * 8:(g + 1) * 8, :].reshape(nb * 8, _H)
        w_hi = jnp.dot(pr_g, ph, preferred_element_type=jnp.float32)
        w_lo = jnp.dot(pr_g, plo, preferred_element_type=jnp.float32)
        acc_hi = acc_hi + jnp.sum(
            (w_hi * _unpack_hi(vnb_g)).reshape(nb, 8, _CHALF), axis=1)
        acc_lo = acc_lo + jnp.sum(
            (w_lo * _unpack_lo(vnb_g)).reshape(nb, 8, _CHALF), axis=1)
    hid_ref[...] = jnp.concatenate([acc_hi, acc_lo], axis=1)


def kernel(input_q, input_k, input_v, rpe_knn_embeddings, knn_idx,
           Wq, bq, Wq1, bq1, Wk, bk, Wv, bv, Wp, bp):
    xq = input_q.reshape(_N, _C)
    xk = input_k.reshape(_N, _C)
    xv = input_v.reshape(_N, _C)
    rpe = rpe_knn_embeddings.reshape(_N, _K, _C)
    idx_pad = jnp.pad(knn_idx.reshape(_N, _K).astype(jnp.int32),
                      ((0, 0), (0, _KP - _K)))
    idx_flat = idx_pad[:_MSC].reshape(1, _NIDX)

    b2 = lambda b: b.reshape(1, _C)

    q, q1, k_bf, v_bf, v_pack = pl.pallas_call(
        _proj_body,
        grid=(_N // _PROJ_NB,),
        in_specs=[
            pl.BlockSpec((_PROJ_NB, _C), lambda i: (i, 0)),
            pl.BlockSpec((_PROJ_NB, _C), lambda i: (i, 0)),
            pl.BlockSpec((_PROJ_NB, _C), lambda i: (i, 0)),
        ] + [
            spec for _ in range(4) for spec in (
                pl.BlockSpec((_C, _C), lambda i: (0, 0)),
                pl.BlockSpec((1, _C), lambda i: (0, 0)),
            )
        ],
        out_specs=[pl.BlockSpec((_PROJ_NB, _C), lambda i: (i, 0))] * 4
        + [pl.BlockSpec((_PROJ_NB, _CHALF), lambda i: (i, 0))],
        out_shape=[jax.ShapeDtypeStruct((_N, _C), jnp.float32)] * 2
        + [jax.ShapeDtypeStruct((_N, _C), jnp.bfloat16)] * 2
        + [jax.ShapeDtypeStruct((_N, _CHALF), jnp.int32)],
    )(xq, xk, xv, Wq.T, b2(bq), Wq1.T, b2(bq1), Wk.T, b2(bk), Wv.T, b2(bv))

    mesh = plsc.VectorSubcoreMesh(core_axis_name="c", subcore_axis_name="s")
    sc_gather = pl.kernel(
        _sc_gather_body,
        mesh=mesh,
        out_type=jax.ShapeDtypeStruct((_NIDX, _CHALF), jnp.int32),
        scratch_types=[],
    )
    vnb = sc_gather(v_pack, idx_flat).reshape(_MSC, _KP, _CHALF)

    pool = jnp.repeat(jnp.eye(_H, dtype=jnp.float32), _D, axis=0)
    eye_h = jnp.eye(_H, dtype=jnp.float32)
    pool_hi = jnp.repeat(eye_h[:, :_H // 2], _D, axis=1)
    pool_lo = jnp.repeat(eye_h[:, _H // 2:], _D, axis=1)

    probs_full = pl.pallas_call(
        _score_body,
        grid=(_N // _ATTN_NB,),
        in_specs=[
            pl.BlockSpec((_ATTN_NB, _C), lambda i: (i, 0)),
            pl.BlockSpec((_ATTN_NB, _C), lambda i: (i, 0)),
            pl.BlockSpec((_N, _C), lambda i: (0, 0)),
            pl.BlockSpec((_ATTN_NB, _KP), lambda i: (i, 0)),
            pl.BlockSpec((_ATTN_NB, _K, _C), lambda i: (i, 0, 0)),
            pl.BlockSpec((_C, _C), lambda i: (0, 0)),
            pl.BlockSpec((1, _C), lambda i: (0, 0)),
            pl.BlockSpec((_C, _H), lambda i: (0, 0)),
        ],
        out_specs=pl.BlockSpec((_ATTN_NB, _KP, _H), lambda i: (i, 0, 0)),
        out_shape=jax.ShapeDtypeStruct((_N, _KP, _H), jnp.float32),
    )(q, q1, k_bf, idx_pad, rpe, Wp.T.astype(jnp.bfloat16), b2(bp), pool)

    hid_a, probs_a = pl.pallas_call(
        _final_body,
        grid=(_MSC // _ATTN_NB,),
        in_specs=[
            pl.BlockSpec((_ATTN_NB, _KP, _CHALF), lambda i: (i, 0, 0)),
            pl.BlockSpec((_ATTN_NB, _KP, _H), lambda i: (i, 0, 0)),
            pl.BlockSpec((_H, _CHALF), lambda i: (0, 0)),
            pl.BlockSpec((_H, _CHALF), lambda i: (0, 0)),
        ],
        out_specs=[
            pl.BlockSpec((_ATTN_NB, _C), lambda i: (i, 0)),
            pl.BlockSpec((_ATTN_NB, _K, _H), lambda i: (i, 0, 0)),
        ],
        out_shape=[
            jax.ShapeDtypeStruct((_MSC, _C), jnp.float32),
            jax.ShapeDtypeStruct((_MSC, _K, _H), jnp.float32),
        ],
    )(vnb, probs_full[:_MSC], pool_hi, pool_lo)

    hid_b, probs_b = pl.pallas_call(
        _final_tc_body,
        grid=(_MTC // _ATTN_NB,),
        in_specs=[
            pl.BlockSpec((_N, _C), lambda i: (0, 0)),
            pl.BlockSpec((_ATTN_NB, _KP), lambda i: (i, 0)),
            pl.BlockSpec((_ATTN_NB, _KP, _H), lambda i: (i, 0, 0)),
            pl.BlockSpec((_H, _C), lambda i: (0, 0)),
        ],
        out_specs=[
            pl.BlockSpec((_ATTN_NB, _C), lambda i: (i, 0)),
            pl.BlockSpec((_ATTN_NB, _K, _H), lambda i: (i, 0, 0)),
        ],
        out_shape=[
            jax.ShapeDtypeStruct((_MTC, _C), jnp.float32),
            jax.ShapeDtypeStruct((_MTC, _K, _H), jnp.float32),
        ],
    )(v_bf, idx_pad[_MSC:], probs_full[_MSC:], pool.T)

    hidden = jnp.concatenate([hid_a, hid_b], axis=0).reshape(_B, _N, _C)
    probs_raw = jnp.concatenate([probs_a, probs_b], axis=0)
    attention_probs = probs_raw.transpose(0, 2, 1).reshape(_B, _N, _H, _K)
    return (hidden, attention_probs)

# --- scband reference (transcript-rebuilt; emitter-appended) ---
"""Pipeline reference for scband-rpemulti-head-attention-81054622810260 (READ-ONLY COPY).

The authoritative reference and input builder live on the scoring server;
editing this copy changes nothing except your own understanding.
"""

import jax, jax.numpy as jnp
import numpy as np

B, N, C, H, K = 1, 2048, 768, 12, 35
D = C // H

def setup_inputs(seed: int = 0) -> dict:
    key = jax.random.key(seed)
    ks = jax.random.split(key, 16)
    s = 1.0 / np.sqrt(C)
    inp = {
        'input_q': jax.random.normal(ks[0], (B, N, C), dtype=jnp.float32),
        'input_k': jax.random.normal(ks[1], (B, N, C), dtype=jnp.float32),
        'input_v': jax.random.normal(ks[2], (B, N, C), dtype=jnp.float32),
        'rpe_knn_embeddings': jax.random.normal(ks[3], (B, N, K, C), dtype=jnp.float32),
        'knn_idx': jax.random.randint(ks[4], (B, N, K), 0, N, dtype=jnp.int64),
        'Wq': jax.random.normal(ks[5], (C, C), dtype=jnp.float32) * s,
        'bq': jnp.zeros((C,), dtype=jnp.float32),
        'Wq1': jax.random.normal(ks[6], (C, C), dtype=jnp.float32) * s,
        'bq1': jnp.zeros((C,), dtype=jnp.float32),
        'Wk': jax.random.normal(ks[7], (C, C), dtype=jnp.float32) * s,
        'bk': jnp.zeros((C,), dtype=jnp.float32),
        'Wv': jax.random.normal(ks[8], (C, C), dtype=jnp.float32) * s,
        'bv': jnp.zeros((C,), dtype=jnp.float32),
        'Wp': jax.random.normal(ks[9], (C, C), dtype=jnp.float32) * s,
        'bp': jnp.zeros((C,), dtype=jnp.float32),
    }
    return inp

def reference(input_q, input_k, input_v, rpe_knn_embeddings, knn_idx,
              Wq, bq, Wq1, bq1, Wk, bk, Wv, bv, Wp, bp):
    k_sp = min(K, N)
    q = (input_q @ Wq.T + bq).reshape(B, N, H, D)
    q1 = (input_q @ Wq1.T + bq1).reshape(B, N, H, D)
    k_all = input_k @ Wk.T + bk   # [B, N, C]
    v_all = input_v @ Wv.T + bv   # [B, N, C]
    # knn_gather: [B, M, C], idx [B, N, K] -> [B, N, K, C]
    k_neighbors = jax.vmap(lambda feat, idx: feat[idx])(k_all, knn_idx)
    v_neighbors = jax.vmap(lambda feat, idx: feat[idx])(v_all, knn_idx)
    k_neighbors = k_neighbors.reshape(B, N, k_sp, H, D)
    v_neighbors = v_neighbors.reshape(B, N, k_sp, H, D)
    p = (rpe_knn_embeddings @ Wp.T + bp).reshape(B, N, k_sp, H, D)
    attn_e = jnp.einsum('bnhd,bnkhd->bnhk', q, k_neighbors)
    attn_p = jnp.einsum('bnhd,bnkhd->bnhk', q1, p)
    attention_scores = (attn_e + attn_p) / (D ** 0.5)
    attention_probs = jax.nn.softmax(attention_scores, axis=-1)
    hidden_states = jnp.einsum('bnhk,bnkhd->bnhd', attention_probs, v_neighbors)
    hidden_states = hidden_states.reshape(B, N, C)
    return (hidden_states, attention_probs)

if __name__ == "__main__":
    import jax
    _d = setup_inputs()
    print(jax.jit(kernel)(*tuple(_d.values())))

</pallas_src>

<mosaic_0001>
#map = affine_map<(d0, d1) -> (0, 0)>
module attributes {stable_mosaic.version = 14 : i64} {
  func.func @_sc_gather_body(%arg0: i32, %arg1: i32, %arg2: memref<2048x384xi32, #tpu.memory_space<hbm>>, %arg3: memref<1x51200xi32, #tpu.memory_space<hbm>>, %arg4: memref<51200x384xi32, #tpu.memory_space<hbm>>) attributes {dimension_semantics = [#tpu.dimension_semantics<core_parallel>, #tpu.dimension_semantics<subcore_parallel>], iteration_bounds = array<i64: 2, 16>, scalar_prefetch = 0 : i64, scratch_operands = 0 : i64, tpu.core_type = #tpu.core_type<sc_vector_subcore>, window_params = [{transform_indices = #map}, {transform_indices = #map}, {transform_indices = #map}]} {
    %mul3A = arith.constant 1 : i32
    %mul3A_0 = arith.muli %arg1, %mul3A : i32
    %add3A = arith.constant 0 : i32
    %add3A_1 = arith.addi %add3A, %mul3A_0 : i32
    %mul3A_2 = arith.constant 16 : i32
    %mul3A_3 = arith.muli %arg0, %mul3A_2 : i32
    %add3A_4 = arith.addi %add3A_1, %mul3A_3 : i32
    %lt3A = arith.constant 16 : i32
    %lt3A_5 = arith.cmpi slt, %add3A_4, %lt3A : i32
    %jit3A = arith.constant 13 : i32
    %jit3A_6 = arith.constant 12 : i32
    %select_n3A = arith.select %lt3A_5, %jit3A, %jit3A_6 : i32
    %lt3A_7 = arith.constant 16 : i32
    %lt3A_8 = arith.cmpi slt, %add3A_4, %lt3A_7 : i32
    %mul3A_9 = arith.muli %add3A_4, %select_n3A : i32
    %mul3A_10 = arith.constant 12 : i32
    %mul3A_11 = arith.muli %add3A_4, %mul3A_10 : i32
    %add3A_12 = arith.constant 16 : i32
    %add3A_13 = arith.addi %mul3A_11, %add3A_12 : i32
    %select_n3A_14 = arith.select %lt3A_8, %mul3A_9, %add3A_13 : i32
    %mul3A_15 = arith.constant 1 : i32
    %mul3A_16 = arith.muli %mul3A_15, %select_n3A : i32
    "tpu.region"() ({
      %run_scoped3A = memref.alloca() : memref<2x1x128xi32, #tpu.memory_space<vmem>>
      %run_scoped3A_17 = tpu.sem_alloc : memref<2x!tpu.dma_semaphore, #tpu.memory_space<semaphore_mem>>
      %run_scoped3A_18 = memref.alloca() : memref<2x128x384xi32, #tpu.memory_space<vmem>>
      %run_scoped3A_19 = tpu.sem_alloc : memref<2x!tpu.dma_semaphore, #tpu.memory_space<semaphore_mem>>
      %gt3A = arith.constant 0 : i32
      %gt3A_20 = arith.cmpi sgt, %mul3A_16, %gt3A : i32
      %convert_element_type3A = arith.extui %gt3A_20 : i1 to i32
      %cond3A = arith.constant 0 : i32
      %cond3A_21 = arith.cmpi ne, %convert_element_type3A, %cond3A : i32
      scf.if %cond3A_21 {
        %mul3A_22 = arith.constant 1 : i32
        %mul3A_23 = arith.muli %mul3A_22, %select_n3A : i32
        %sub3A = arith.constant 1 : i32
        %sub3A_24 = arith.subi %mul3A_23, %sub3A : i32
        %eq3A = arith.constant 0 : i32
        %eq3A_25 = arith.cmpi eq, %sub3A_24, %eq3A : i32
        %add3A_26 = arith.constant 0 : i32
        %add3A_27 = arith.addi %add3A_26, %select_n3A_14 : i32
        %select_n3A_28 = arith.constant true
        %select_n3A_29 = arith.constant 0 : i32
        %select_n3A_30 = arith.constant -1 : i32
        %select_n3A_31 = arith.select %select_n3A_28, %select_n3A_30, %select_n3A_29 : i32
        %eq3A_32 = arith.constant -1 : i32
        %eq3A_33 = arith.cmpi eq, %select_n3A_31, %eq3A_32 : i32
        %sub3A_34 = arith.constant 1 : i32
        %sub3A_35 = arith.subi %select_n3A, %sub3A_34 : i32
        %select_n3A_36 = arith.select %eq3A_33, %sub3A_35, %select_n3A_31 : i32
        %add3A_37 = arith.addi %select_n3A_36, %select_n3A_14 : i32
        %select_n3A_38 = arith.constant true
        %select_n3A_39 = arith.constant 0 : i32
        %select_n3A_40 = arith.constant 1 : i32
        %select_n3A_41 = arith.select %select_n3A_38, %select_n3A_40, %select_n3A_39 : i32
        %eq3A_42 = arith.cmpi eq, %select_n3A_41, %select_n3A : i32
        %select_n3A_43 = arith.constant 0 : i32
        %select_n3A_44 = arith.select %eq3A_42, %select_n3A_43, %select_n3A_41 : i32
        %add3A_45 = arith.addi %select_n3A_44, %select_n3A_14 : i32
        %add3A_46 = arith.constant 1 : i32
        %add3A_47 = arith.addi %select_n3A_44, %add3A_46 : i32
        %select_n3A_48 = arith.constant true
        %select_n3A_49 = arith.select %select_n3A_48, %add3A_47, %select_n3A_44 : i32
        %eq3A_50 = arith.cmpi eq, %select_n3A_49, %select_n3A : i32
        %select_n3A_51 = arith.constant 0 : i32
        %select_n3A_52 = arith.select %eq3A_50, %select_n3A_51, %select_n3A_49 : i32
        %add3A_53 = arith.addi %select_n3A_52, %select_n3A_14 : i32
        "tpu.trace_start"() <{level = 10 : i32, message = "ep_initialize_0"}> : () -> ()
        %rem3A = arith.constant 0 : i32
        %rem3A_54 = arith.constant 2 : i32
        %rem3A_55 = arith.remui %rem3A, %rem3A_54 : i32
        %mul3A_56 = arith.constant 128 : i32
        %mul3A_57 = arith.muli %mul3A_56, %add3A_27 : i32
        %dma_start3A = arith.constant 0 : i32
        %dma_start3A_58 = arith.constant 0 : i32
        %dma_start3A_59 = tpu.memref_slice %run_scoped3A[%rem3A_55, %dma_start3A, %dma_start3A_58] : memref<2x1x128xi32, #tpu.memory_space<vmem>> -> memref<1x1x128xi32, #tpu.memory_space<vmem>>
        %dma_start3A_60 = tpu.memref_squeeze %dma_start3A_59 : memref<1x1x128xi32, #tpu.memory_space<vmem>> -> memref<1x128xi32, #tpu.memory_space<vmem>>
        %dma_start3A_61 = arith.constant 0 : i32
        %dma_start3A_62 = tpu.memref_slice %arg3[%dma_start3A_61, %mul3A_57] : memref<1x51200xi32, #tpu.memory_space<hbm>> -> memref<1x128xi32, #tpu.memory_space<hbm>>
        %dma_start3A_63 = tpu.memref_slice %run_scoped3A_17[%rem3A_55] : memref<2x!tpu.dma_semaphore, #tpu.memory_space<semaphore_mem>> -> memref<1x!tpu.dma_semaphore, #tpu.memory_space<semaphore_mem>>
        %dma_start3A_64 = tpu.memref_squeeze %dma_start3A_63 : memref<1x!tpu.dma_semaphore, #tpu.memory_space<semaphore_mem>> -> memref<!tpu.dma_semaphore, #tpu.memory_space<semaphore_mem>>
        %dma_start3A_65 = arith.constant 0 : i32
        %dma_start3A_66 = arith.constant 0 : i32
        %dma_start3A_67 = tpu.memref_slice %run_scoped3A[%rem3A_55, %dma_start3A_65, %dma_start3A_66] : memref<2x1x128xi32, #tpu.memory_space<vmem>> -> memref<1x1x128xi32, #tpu.memory_space<vmem>>
        %dma_start3A_68 = tpu.memref_squeeze %dma_start3A_67 : memref<1x1x128xi32, #tpu.memory_space<vmem>> -> memref<1x128xi32, #tpu.memory_space<vmem>>
        %dma_start3A_69 = arith.constant 0 : i32
        %dma_start3A_70 = tpu.memref_slice %arg3[%dma_start3A_69, %mul3A_57] : memref<1x51200xi32, #tpu.memory_space<hbm>> -> memref<1x128xi32, #tpu.memory_space<hbm>>
        tpu.enqueue_dma source(%dma_start3A_70 : memref<1x128xi32, #tpu.memory_space<hbm>>) target(%dma_start3A_68 : memref<1x128xi32, #tpu.memory_space<vmem>>) target_semaphore(%dma_start3A_64 : memref<!tpu.dma_semaphore, #tpu.memory_space<semaphore_mem>>)
        %add3A_71 = arith.constant 0 : i32
        %add3A_72 = arith.constant 1 : i32
        %add3A_73 = arith.addi %add3A_71, %add3A_72 : i32
        %select_n3A_74 = arith.constant true
        %select_n3A_75 = arith.constant 0 : i32
        %select_n3A_76 = arith.select %select_n3A_74, %add3A_73, %select_n3A_75 : i32
        %while3A = arith.constant 0 : i32
        %while3A_77 = arith.constant 0 : i32
        %while3A_78 = arith.constant 0 : i32
        %while3A_79 = arith.constant 0 : i32
        %while3A_80 = arith.constant 0 : i32
        "tpu.trace_stop"() : () -> ()
        %while3A_81 = arith.subi %mul3A_16, %while3A : i32
        %while3A_82 = arith.addi %while3A, %while3A_81 : i32
        %while3A_83 = arith.constant 1 : i32
        %while3A_84 = arith.divsi %while3A_81, %while3A_83 : i32
        %while3A_85 = arith.muli %while3A_84, %while3A_83 : i32
        %while3A_86 = arith.addi %while3A, %while3A_85 : i32
        %while3A_87 = arith.constant 1 : i32
        %while3A_88:5 = scf.for %while3A_142 = %while3A to %while3A_86 step %while3A_87 iter_args(%while3A_143 = %select_n3A_76, %while3A_144 = %while3A_77, %while3A_145 = %while3A_78, %while3A_146 = %while3A_79, %while3A_147 = %while3A_80) -> (i32, i32, i32, i32, i32)  : i32 {
          %mul3A_148 = arith.constant 1 : i32
          %mul3A_149 = arith.muli %mul3A_148, %select_n3A : i32
          %eq3A_150 = arith.constant 0 : i32
          %eq3A_151 = arith.cmpi eq, %while3A_142, %eq3A_150 : i32
          %sub3A_152 = arith.constant 1 : i32
          %sub3A_153 = arith.subi %mul3A_149, %sub3A_152 : i32
          %eq3A_154 = arith.cmpi eq, %while3A_142, %sub3A_153 : i32
          %add3A_155 = arith.addi %while3A_147, %select_n3A_14 : i32
          %sub3A_156 = arith.constant 1 : i32
          %sub3A_157 = arith.subi %while3A_147, %sub3A_156 : i32
          %select_n3A_158 = arith.constant true
          %select_n3A_159 = arith.select %select_n3A_158, %sub3A_157, %while3A_147 : i32
          %eq3A_160 = arith.constant -1 : i32
          %eq3A_161 = arith.cmpi eq, %select_n3A_159, %eq3A_160 : i32
          %sub3A_162 = arith.constant 1 : i32
          %sub3A_163 = arith.subi %select_n3A, %sub3A_162 : i32
          %select_n3A_164 = arith.select %eq3A_161, %sub3A_163, %select_n3A_159 : i32
          %add3A_165 = arith.addi %select_n3A_164, %select_n3A_14 : i32
          %add3A_166 = arith.constant 1 : i32
          %add3A_167 = arith.addi %while3A_147, %add3A_166 : i32
          %select_n3A_168 = arith.constant true
          %select_n3A_169 = arith.select %select_n3A_168, %add3A_167, %while3A_147 : i32
          %eq3A_170 = arith.cmpi eq, %select_n3A_169, %select_n3A : i32
          %select_n3A_171 = arith.constant 0 : i32
          %select_n3A_172 = arith.select %eq3A_170, %select_n3A_171, %select_n3A_169 : i32
          %add3A_173 = arith.addi %select_n3A_172, %select_n3A_14 : i32
          %add3A_174 = arith.constant 1 : i32
          %add3A_175 = arith.addi %select_n3A_172, %add3A_174 : i32
          %select_n3A_176 = arith.constant true
          %select_n3A_177 = arith.select %select_n3A_176, %add3A_175, %select_n3A_172 : i32
          %eq3A_178 = arith.cmpi eq, %select_n3A_177, %select_n3A : i32
          %select_n3A_179 = arith.constant 0 : i32
          %select_n3A_180 = arith.select %eq3A_178, %select_n3A_179, %select_n3A_177 : i32
          %add3A_181 = arith.addi %select_n3A_180, %select_n3A_14 : i32
          %ne3A = arith.cmpi ne, %add3A_155, %add3A_173 : i32
          %or3A = arith.constant false
          %or3A_182 = arith.ori %or3A, %ne3A : i1
          %sub3A_183 = arith.constant 2 : i32
          %sub3A_184 = arith.subi %mul3A_149, %sub3A_183 : i32
          %add3A_185 = arith.constant 1 : i32
          %add3A_186 = arith.addi %sub3A_184, %add3A_185 : i32
          %ge3A = arith.cmpi sge, %while3A_142, %add3A_186 : i32
          %not3A = arith.constant true
          %not3A_187 = arith.xori %ge3A, %not3A : i1
          %and3A = arith.andi %or3A_182, %not3A_187 : i1
          %convert_element_type3A_188 = arith.extui %and3A : i1 to i32
          %cond3A_189 = arith.constant 0 : i32
          %cond3A_190 = arith.cmpi ne, %convert_element_type3A_188, %cond3A_189 : i32
          scf.if %cond3A_190 {
            "tpu.trace_start"() <{level = 10 : i32, message = "ep_copy_in"}> : () -> ()
            %rem3A_294 = arith.constant 2 : i32
            %rem3A_295 = arith.remui %while3A_143, %rem3A_294 : i32
            %mul3A_296 = arith.constant 128 : i32
            %mul3A_297 = arith.muli %mul3A_296, %add3A_173 : i32
            %dma_start3A_298 = arith.constant 0 : i32
            %dma_start3A_299 = arith.constant 0 : i32
            %dma_start3A_300 = tpu.memref_slice %run_scoped3A[%rem3A_295, %dma_start3A_298, %dma_start3A_299] : memref<2x1x128xi32, #tpu.memory_space<vmem>> -> memref<1x1x128xi32, #tpu.memory_space<vmem>>
            %dma_start3A_301 = tpu.memref_squeeze %dma_start3A_300 : memref<1x1x128xi32, #tpu.memory_space<vmem>> -> memref<1x128xi32, #tpu.memory_space<vmem>>
            %dma_start3A_302 = arith.constant 0 : i32
            %dma_start3A_303 = tpu.memref_slice %arg3[%dma_start3A_302, %mul3A_297] : memref<1x51200xi32, #tpu.memory_space<hbm>> -> memref<1x128xi32, #tpu.memory_space<hbm>>
            %dma_start3A_304 = tpu.memref_slice %run_scoped3A_17[%rem3A_295] : memref<2x!tpu.dma_semaphore, #tpu.memory_space<semaphore_mem>> -> memref<1x!tpu.dma_semaphore, #tpu.memory_space<semaphore_mem>>
            %dma_start3A_305 = tpu.memref_squeeze %dma_start3A_304 : memref<1x!tpu.dma_semaphore, #tpu.memory_space<semaphore_mem>> -> memref<!tpu.dma_semaphore, #tpu.memory_space<semaphore_mem>>
            %dma_start3A_306 = arith.constant 0 : i32
            %dma_start3A_307 = arith.constant 0 : i32
            %dma_start3A_308 = tpu.memref_slice %run_scoped3A[%rem3A_295, %dma_start3A_306, %dma_start3A_307] : memref<2x1x128xi32, #tpu.memory_space<vmem>> -> memref<1x1x128xi32, #tpu.memory_space<vmem>>
            %dma_start3A_309 = tpu.memref_squeeze %dma_start3A_308 : memref<1x1x128xi32, #tpu.memory_space<vmem>> -> memref<1x128xi32, #tpu.memory_space<vmem>>
            %dma_start3A_310 = arith.constant 0 : i32
            %dma_start3A_311 = tpu.memref_slice %arg3[%dma_start3A_310, %mul3A_297] : memref<1x51200xi32, #tpu.memory_space<hbm>> -> memref<1x128xi32, #tpu.memory_space<hbm>>
            tpu.enqueue_dma source(%dma_start3A_311 : memref<1x128xi32, #tpu.memory_space<hbm>>) target(%dma_start3A_309 : memref<1x128xi32, #tpu.memory_space<vmem>>) target_semaphore(%dma_start3A_305 : memref<!tpu.dma_semaphore, #tpu.memory_space<semaphore_mem>>)
            "tpu.trace_stop"() : () -> ()
          } else {
          }
          %and3A_191 = arith.constant true
          %and3A_192 = arith.andi %and3A, %and3A_191 : i1
          %add3A_193 = arith.constant 1 : i32
          %add3A_194 = arith.addi %while3A_143, %add3A_193 : i32
          %select_n3A_195 = arith.select %and3A_192, %add3A_194, %while3A_143 : i32
          %ne3A_196 = arith.cmpi ne, %add3A_155, %add3A_173 : i32
          %or3A_197 = arith.constant false
          %or3A_198 = arith.ori %or3A_197, %ne3A_196 : i1
          %or3A_199 = arith.constant false
          %or3A_200 = arith.ori %or3A_198, %or3A_199 : i1
          %sub3A_201 = arith.constant 2 : i32
          %sub3A_202 = arith.subi %mul3A_149, %sub3A_201 : i32
          %add3A_203 = arith.constant 1 : i32
          %add3A_204 = arith.addi %sub3A_202, %add3A_203 : i32
          %ge3A_205 = arith.cmpi sge, %while3A_142, %add3A_204 : i32
          %not3A_206 = arith.constant true
          %not3A_207 = arith.xori %ge3A_205, %not3A_206 : i1
          %and3A_208 = arith.andi %or3A_200, %not3A_207 : i1
          %ne3A_209 = arith.cmpi ne, %add3A_155, %add3A_165 : i32
          %or3A_210 = arith.constant false
          %or3A_211 = arith.ori %or3A_210, %ne3A_209 : i1
          %or3A_212 = arith.ori %or3A_211, %eq3A_151 : i1
          %convert_element_type3A_213 = arith.extui %or3A_212 : i1 to i32
          %cond3A_214 = arith.constant 0 : i32
          %cond3A_215 = arith.cmpi ne, %convert_element_type3A_213, %cond3A_214 : i32
          scf.if %cond3A_215 {
            "tpu.trace_start"() <{level = 10 : i32, message = "ep_wait_in"}> : () -> ()
            %mul3A_294 = arith.constant 128 : i32
            %mul3A_295 = arith.muli %mul3A_294, %add3A_155 : i32
            %rem3A_296 = arith.constant 2 : i32
            %rem3A_297 = arith.remui %while3A_144, %rem3A_296 : i32
            %dma_wait3A = arith.constant 0 : i32
            %dma_wait3A_298 = arith.constant 0 : i32
            %dma_wait3A_299 = tpu.memref_slice %run_scoped3A[%rem3A_297, %dma_wait3A, %dma_wait3A_298] : memref<2x1x128xi32, #tpu.memory_space<vmem>> -> memref<1x1x128xi32, #tpu.memory_space<vmem>>
            %dma_wait3A_300 = tpu.memref_squeeze %dma_wait3A_299 : memref<1x1x128xi32, #tpu.memory_space<vmem>> -> memref<1x128xi32, #tpu.memory_space<vmem>>
            %dma_wait3A_301 = arith.constant 0 : i32
            %dma_wait3A_302 = tpu.memref_slice %arg3[%dma_wait3A_301, %mul3A_295] : memref<1x51200xi32, #tpu.memory_space<hbm>> -> memref<1x128xi32, #tpu.memory_space<hbm>>
            %dma_wait3A_303 = tpu.memref_slice %run_scoped3A_17[%rem3A_297] : memref<2x!tpu.dma_semaphore, #tpu.memory_space<semaphore_mem>> -> memref<1x!tpu.dma_semaphore, #tpu.memory_space<semaphore_mem>>
            %dma_wait3A_304 = tpu.memref_squeeze %dma_wait3A_303 : memref<1x!tpu.dma_semaphore, #tpu.memory_space<semaphore_mem>> -> memref<!tpu.dma_semaphore, #tpu.memory_space<semaphore_mem>>
            %dma_wait3A_305 = arith.constant 0 : i32
            %dma_wait3A_306 = arith.constant 0 : i32
            %dma_wait3A_307 = tpu.memref_slice %run_scoped3A[%rem3A_297, %dma_wait3A_305, %dma_wait3A_306] : memref<2x1x128xi32, #tpu.memory_space<vmem>> -> memref<1x1x128xi32, #tpu.memory_space<vmem>>
            %dma_wait3A_308 = tpu.memref_squeeze %dma_wait3A_307 : memref<1x1x128xi32, #tpu.memory_space<vmem>> -> memref<1x128xi32, #tpu.memory_space<vmem>>
            %dma_wait3A_309 = arith.constant 0 : i32
            %dma_wait3A_310 = tpu.memref_slice %arg3[%dma_wait3A_309, %mul3A_295] : memref<1x51200xi32, #tpu.memory_space<hbm>> -> memref<1x128xi32, #tpu.memory_space<hbm>>
            tpu.wait_dma2 semaphore(%dma_wait3A_304 : memref<!tpu.dma_semaphore, #tpu.memory_space<semaphore_mem>>) src(%dma_wait3A_310 : memref<1x128xi32, #tpu.memory_space<hbm>>) dst(%dma_wait3A_308 : memref<1x128xi32, #tpu.memory_space<vmem>>)
            "tpu.trace_stop"() : () -> ()
          } else {
          }
          %ne3A_216 = arith.cmpi ne, %add3A_155, %add3A_165 : i32
          %or3A_217 = arith.constant false
          %or3A_218 = arith.ori %or3A_217, %ne3A_216 : i1
          %or3A_219 = arith.constant false
          %or3A_220 = arith.ori %or3A_218, %or3A_219 : i1
          %or3A_221 = arith.ori %or3A_220, %eq3A_151 : i1
          %convert_element_type3A_222 = arith.extui %or3A_221 : i1 to i32
          %cond3A_223 = arith.constant 0 : i32
          %cond3A_224 = arith.cmpi ne, %convert_element_type3A_222, %cond3A_223 : i32
          scf.if %cond3A_224 {
          } else {
          }
          %rem3A_225 = arith.constant 2 : i32
          %rem3A_226 = arith.remui %while3A_144, %rem3A_225 : i32
          %rem3A_227 = arith.constant 2 : i32
          %rem3A_228 = arith.remui %while3A_145, %rem3A_227 : i32
          %run_scoped3A_229 = arith.constant 0 : i32
          "tpu.trace_start"() <{level = 10 : i32, message = "ep_run_kernel"}> : () -> ()
          "tpu.region"() ({
            %run_scoped3A_294 = tpu.sem_alloc : memref<!tpu.dma_semaphore, #tpu.memory_space<semaphore_mem>>
            %dma_start3A_295 = arith.constant 0 : i32
            %dma_start3A_296 = arith.constant 0 : i32
            %dma_start3A_297 = tpu.memref_slice %run_scoped3A_18[%rem3A_228, %dma_start3A_295, %dma_start3A_296] : memref<2x128x384xi32, #tpu.memory_space<vmem>> -> memref<1x128x384xi32, #tpu.memory_space<vmem>>
            %dma_start3A_298 = tpu.memref_squeeze %dma_start3A_297 : memref<1x128x384xi32, #tpu.memory_space<vmem>> -> memref<128x384xi32, #tpu.memory_space<vmem>>
            %dma_start3A_299 = arith.constant 0 : i32
            %dma_start3A_300 = arith.constant 0 : i32
            %dma_start3A_301 = tpu.memref_slice %run_scoped3A[%rem3A_226, %dma_start3A_299, %dma_start3A_300] : memref<2x1x128xi32, #tpu.memory_space<vmem>> -> memref<1x1x128xi32, #tpu.memory_space<vmem>>
            %dma_start3A_302 = tpu.memref_squeeze %dma_start3A_301 : memref<1x1x128xi32, #tpu.memory_space<vmem>> -> memref<1x128xi32, #tpu.memory_space<vmem>>
            %dma_start3A_303 = arith.constant 0 : i32
            %dma_start3A_304 = tpu.memref_slice %dma_start3A_302[%run_scoped3A_229, %dma_start3A_303] : memref<1x128xi32, #tpu.memory_space<vmem>> -> memref<1x128xi32, #tpu.memory_space<vmem>>
            %dma_start3A_305 = tpu.memref_squeeze %dma_start3A_304 : memref<1x128xi32, #tpu.memory_space<vmem>> -> memref<128xi32, #tpu.memory_space<vmem>>
            %dma_start3A_306 = arith.constant 0 : i32
            %dma_start3A_307 = arith.constant 0 : i32
            %dma_start3A_308 = tpu.memref_slice %arg2[%dma_start3A_306, %dma_start3A_307] : memref<2048x384xi32, #tpu.memory_space<hbm>> -> memref<2048x384xi32, #tpu.memory_space<hbm>>
            tpu.enqueue_indirect_dma source(%dma_start3A_308 : memref<2048x384xi32, #tpu.memory_space<hbm>>) target(%dma_start3A_298 : memref<128x384xi32, #tpu.memory_space<vmem>>) offsets(%dma_start3A_305 : memref<128xi32, #tpu.memory_space<vmem>>) semaphore(%run_scoped3A_294 : memref<!tpu.dma_semaphore, #tpu.memory_space<semaphore_mem>>)
            %dma_wait3A = arith.constant 0 : i32
            %dma_wait3A_309 = arith.constant 0 : i32
            %dma_wait3A_310 = tpu.memref_slice %run_scoped3A_18[%rem3A_228, %dma_wait3A, %dma_wait3A_309] : memref<2x128x384xi32, #tpu.memory_space<vmem>> -> memref<1x128x384xi32, #tpu.memory_space<vmem>>
            %dma_wait3A_311 = tpu.memref_squeeze %dma_wait3A_310 : memref<1x128x384xi32, #tpu.memory_space<vmem>> -> memref<128x384xi32, #tpu.memory_space<vmem>>
            %dma_wait3A_312 = arith.constant 0 : i32
            %dma_wait3A_313 = arith.constant 0 : i32
            %dma_wait3A_314 = tpu.memref_slice %run_scoped3A[%rem3A_226, %dma_wait3A_312, %dma_wait3A_313] : memref<2x1x128xi32, #tpu.memory_space<vmem>> -> memref<1x1x128xi32, #tpu.memory_space<vmem>>
            %dma_wait3A_315 = tpu.memref_squeeze %dma_wait3A_314 : memref<1x1x128xi32, #tpu.memory_space<vmem>> -> memref<1x128xi32, #tpu.memory_space<vmem>>
            %dma_wait3A_316 = arith.constant 0 : i32
            %dma_wait3A_317 = tpu.memref_slice %dma_wait3A_315[%run_scoped3A_229, %dma_wait3A_316] : memref<1x128xi32, #tpu.memory_space<vmem>> -> memref<1x128xi32, #tpu.memory_space<vmem>>
            %dma_wait3A_318 = tpu.memref_squeeze %dma_wait3A_317 : memref<1x128xi32, #tpu.memory_space<vmem>> -> memref<128xi32, #tpu.memory_space<vmem>>
            %dma_wait3A_319 = arith.constant 0 : i32
            %dma_wait3A_320 = arith.constant 0 : i32
            %dma_wait3A_321 = tpu.memref_slice %arg2[%dma_wait3A_319, %dma_wait3A_320] : memref<2048x384xi32, #tpu.memory_space<hbm>> -> memref<2048x384xi32, #tpu.memory_space<hbm>>
            tpu.wait_indirect_dma semaphore(%run_scoped3A_294 : memref<!tpu.dma_semaphore, #tpu.memory_space<semaphore_mem>>) src(%dma_wait3A_321 : memref<2048x384xi32, #tpu.memory_space<hbm>>) dst(%dma_wait3A_311 : memref<128x384xi32, #tpu.memory_space<vmem>>)
            tpu.yield
          }) : () -> ()
          "tpu.trace_stop"() : () -> ()
          %ne3A_230 = arith.cmpi ne, %add3A_155, %add3A_173 : i32
          %or3A_231 = arith.constant false
          %or3A_232 = arith.ori %or3A_231, %ne3A_230 : i1
          %or3A_233 = arith.ori %or3A_232, %eq3A_154 : i1
          %convert_element_type3A_234 = arith.extui %or3A_233 : i1 to i32
          %cond3A_235 = arith.constant 0 : i32
          %cond3A_236 = arith.cmpi ne, %convert_element_type3A_234, %cond3A_235 : i32
          scf.if %cond3A_236 {
          } else {
          }
          %and3A_237 = arith.constant false
          %and3A_238 = arith.andi %or3A_233, %and3A_237 : i1
          %ne3A_239 = arith.cmpi ne, %add3A_155, %add3A_173 : i32
          %or3A_240 = arith.constant false
          %or3A_241 = arith.ori %or3A_240, %ne3A_239 : i1
          %or3A_242 = arith.constant false
          %or3A_243 = arith.ori %or3A_241, %or3A_242 : i1
          %or3A_244 = arith.ori %or3A_243, %eq3A_154 : i1
          %convert_element_type3A_245 = arith.extui %or3A_244 : i1 to i32
          %cond3A_246 = arith.constant 0 : i32
          %cond3A_247 = arith.cmpi ne, %convert_element_type3A_245, %cond3A_246 : i32
          scf.if %cond3A_247 {
            "tpu.trace_start"() <{level = 10 : i32, message = "ep_copy_out"}> : () -> ()
            %rem3A_294 = arith.constant 2 : i32
            %rem3A_295 = arith.remui %while3A_145, %rem3A_294 : i32
            %mul3A_296 = arith.constant 128 : i32
            %mul3A_297 = arith.muli %mul3A_296, %add3A_155 : i32
            %dma_start3A_298 = arith.constant 0 : i32
            %dma_start3A_299 = arith.constant 0 : i32
            %dma_start3A_300 = tpu.memref_slice %run_scoped3A_18[%rem3A_295, %dma_start3A_298, %dma_start3A_299] : memref<2x128x384xi32, #tpu.memory_space<vmem>> -> memref<1x128x384xi32, #tpu.memory_space<vmem>>
            %dma_start3A_301 = tpu.memref_squeeze %dma_start3A_300 : memref<1x128x384xi32, #tpu.memory_space<vmem>> -> memref<128x384xi32, #tpu.memory_space<vmem>>
            %dma_start3A_302 = arith.constant 0 : i32
            %dma_start3A_303 = tpu.memref_slice %arg4[%mul3A_297, %dma_start3A_302] : memref<51200x384xi32, #tpu.memory_space<hbm>> -> memref<128x384xi32, #tpu.memory_space<hbm>>
            %dma_start3A_304 = tpu.memref_slice %run_scoped3A_19[%rem3A_295] : memref<2x!tpu.dma_semaphore, #tpu.memory_space<semaphore_mem>> -> memref<1x!tpu.dma_semaphore, #tpu.memory_space<semaphore_mem>>
            %dma_start3A_305 = tpu.memref_squeeze %dma_start3A_304 : memref<1x!tpu.dma_semaphore, #tpu.memory_space<semaphore_mem>> -> memref<!tpu.dma_semaphore, #tpu.memory_space<semaphore_mem>>
            %dma_start3A_306 = arith.constant 0 : i32
            %dma_start3A_307 = tpu.memref_slice %arg4[%mul3A_297, %dma_start3A_306] : memref<51200x384xi32, #tpu.memory_space<hbm>> -> memref<128x384xi32, #tpu.memory_space<hbm>>
            %dma_start3A_308 = arith.constant 0 : i32
            %dma_start3A_309 = arith.constant 0 : i32
            %dma_start3A_310 = tpu.memref_slice %run_scoped3A_18[%rem3A_295, %dma_start3A_308, %dma_start3A_309] : memref<2x128x384xi32, #tpu.memory_space<vmem>> -> memref<1x128x384xi32, #tpu.memory_space<vmem>>
            %dma_start3A_311 = tpu.memref_squeeze %dma_start3A_310 : memref<1x128x384xi32, #tpu.memory_space<vmem>> -> memref<128x384xi32, #tpu.memory_space<vmem>>
            tpu.enqueue_dma source(%dma_start3A_311 : memref<128x384xi32, #tpu.memory_space<vmem>>) target(%dma_start3A_307 : memref<128x384xi32, #tpu.memory_space<hbm>>) target_semaphore(%dma_start3A_305 : memref<!tpu.dma_semaphore, #tpu.memory_space<semaphore_mem>>)
            "tpu.trace_stop"() : () -> ()
          } else {
          }
          %and3A_248 = arith.constant true
          %and3A_249 = arith.andi %or3A_244, %and3A_248 : i1
          %add3A_250 = arith.constant 1 : i32
          %add3A_251 = arith.addi %while3A_145, %add3A_250 : i32
          %select_n3A_252 = arith.select %and3A_249, %add3A_251, %while3A_145 : i32
          %ne3A_253 = arith.cmpi ne, %add3A_155, %add3A_165 : i32
          %or3A_254 = arith.constant false
          %or3A_255 = arith.ori %or3A_254, %ne3A_253 : i1
          %not3A_256 = arith.constant true
          %not3A_257 = arith.xori %eq3A_151, %not3A_256 : i1
          %and3A_258 = arith.andi %or3A_255, %not3A_257 : i1
          %convert_element_type3A_259 = arith.extui %and3A_258 : i1 to i32
          %cond3A_260 = arith.constant 0 : i32
          %cond3A_261 = arith.cmpi ne, %convert_element_type3A_259, %cond3A_260 : i32
          scf.if %cond3A_261 {
          } else {
          }
          %and3A_262 = arith.constant false
          %and3A_263 = arith.andi %and3A_258, %and3A_262 : i1
          %ne3A_264 = arith.cmpi ne, %add3A_155, %add3A_165 : i32
          %or3A_265 = arith.constant false
          %or3A_266 = arith.ori %or3A_265, %ne3A_264 : i1
          %or3A_267 = arith.constant false
          %or3A_268 = arith.ori %or3A_266, %or3A_267 : i1
          %not3A_269 = arith.constant true
          %not3A_270 = arith.xori %eq3A_151, %not3A_269 : i1
          %and3A_271 = arith.andi %or3A_268, %not3A_270 : i1
          %convert_element_type3A_272 = arith.extui %and3A_271 : i1 to i32
          %cond3A_273 = arith.constant 0 : i32
          %cond3A_274 = arith.cmpi ne, %convert_element_type3A_272, %cond3A_273 : i32
          scf.if %cond3A_274 {
            "tpu.trace_start"() <{level = 10 : i32, message = "ep_wait_out"}> : () -> ()
            %rem3A_294 = arith.constant 2 : i32
            %rem3A_295 = arith.remui %while3A_146, %rem3A_294 : i32
            %mul3A_296 = arith.constant 128 : i32
            %mul3A_297 = arith.muli %mul3A_296, %add3A_165 : i32
            %dma_wait3A = arith.constant 0 : i32
            %dma_wait3A_298 = arith.constant 0 : i32
            %dma_wait3A_299 = tpu.memref_slice %run_scoped3A_18[%rem3A_295, %dma_wait3A, %dma_wait3A_298] : memref<2x128x384xi32, #tpu.memory_space<vmem>> -> memref<1x128x384xi32, #tpu.memory_space<vmem>>
            %dma_wait3A_300 = tpu.memref_squeeze %dma_wait3A_299 : memref<1x128x384xi32, #tpu.memory_space<vmem>> -> memref<128x384xi32, #tpu.memory_space<vmem>>
            %dma_wait3A_301 = arith.constant 0 : i32
            %dma_wait3A_302 = tpu.memref_slice %arg4[%mul3A_297, %dma_wait3A_301] : memref<51200x384xi32, #tpu.memory_space<hbm>> -> memref<128x384xi32, #tpu.memory_space<hbm>>
            %dma_wait3A_303 = tpu.memref_slice %run_scoped3A_19[%rem3A_295] : memref<2x!tpu.dma_semaphore, #tpu.memory_space<semaphore_mem>> -> memref<1x!tpu.dma_semaphore, #tpu.memory_space<semaphore_mem>>
            %dma_wait3A_304 = tpu.memref_squeeze %dma_wait3A_303 : memref<1x!tpu.dma_semaphore, #tpu.memory_space<semaphore_mem>> -> memref<!tpu.dma_semaphore, #tpu.memory_space<semaphore_mem>>
            %dma_wait3A_305 = arith.constant 0 : i32
            %dma_wait3A_306 = tpu.memref_slice %arg4[%mul3A_297, %dma_wait3A_305] : memref<51200x384xi32, #tpu.memory_space<hbm>> -> memref<128x384xi32, #tpu.memory_space<hbm>>
            %dma_wait3A_307 = arith.constant 0 : i32
            %dma_wait3A_308 = arith.constant 0 : i32
            %dma_wait3A_309 = tpu.memref_slice %run_scoped3A_18[%rem3A_295, %dma_wait3A_307, %dma_wait3A_308] : memref<2x128x384xi32, #tpu.memory_space<vmem>> -> memref<1x128x384xi32, #tpu.memory_space<vmem>>
            %dma_wait3A_310 = tpu.memref_squeeze %dma_wait3A_309 : memref<1x128x384xi32, #tpu.memory_space<vmem>> -> memref<128x384xi32, #tpu.memory_space<vmem>>
            tpu.wait_dma2 semaphore(%dma_wait3A_304 : memref<!tpu.dma_semaphore, #tpu.memory_space<semaphore_mem>>) src(%dma_wait3A_310 : memref<128x384xi32, #tpu.memory_space<vmem>>) dst(%dma_wait3A_306 : memref<128x384xi32, #tpu.memory_space<hbm>>)
            "tpu.trace_stop"() : () -> ()
          } else {
          }
          %and3A_275 = arith.constant true
          %and3A_276 = arith.andi %and3A_271, %and3A_275 : i1
          %add3A_277 = arith.constant 1 : i32
          %add3A_278 = arith.addi %while3A_146, %add3A_277 : i32
          %select_n3A_279 = arith.select %and3A_276, %add3A_278, %while3A_146 : i32
          %ne3A_280 = arith.cmpi ne, %add3A_155, %add3A_173 : i32
          %or3A_281 = arith.constant false
          %or3A_282 = arith.ori %or3A_281, %ne3A_280 : i1
          %or3A_283 = arith.ori %or3A_282, %eq3A_154 : i1
          %add3A_284 = arith.constant 1 : i32
          %add3A_285 = arith.addi %while3A_144, %add3A_284 : i32
          %select_n3A_286 = arith.select %or3A_283, %add3A_285, %while3A_144 : i32
          %add3A_287 = arith.constant 1 : i32
          %add3A_288 = arith.addi %while3A_147, %add3A_287 : i32
          %select_n3A_289 = arith.constant true
          %select_n3A_290 = arith.select %select_n3A_289, %add3A_288, %while3A_147 : i32
          %eq3A_291 = arith.cmpi eq, %select_n3A_290, %select_n3A : i32
          %select_n3A_292 = arith.constant 0 : i32
          %select_n3A_293 = arith.select %eq3A_291, %select_n3A_292, %select_n3A_290 : i32
          scf.yield %select_n3A_195, %select_n3A_286, %select_n3A_252, %select_n3A_279, %select_n3A_293 : i32, i32, i32, i32, i32
        }
        %while3A_89 = arith.constant 1 : i32
        %while3A_90:5 = scf.for %while3A_142 = %while3A_86 to %while3A_82 step %while3A_89 iter_args(%while3A_143 = %while3A_88#0, %while3A_144 = %while3A_88#1, %while3A_145 = %while3A_88#2, %while3A_146 = %while3A_88#3, %while3A_147 = %while3A_88#4) -> (i32, i32, i32, i32, i32)  : i32 {
          %mul3A_148 = arith.constant 1 : i32
          %mul3A_149 = arith.muli %mul3A_148, %select_n3A : i32
          %eq3A_150 = arith.constant 0 : i32
          %eq3A_151 = arith.cmpi eq, %while3A_142, %eq3A_150 : i32
          %sub3A_152 = arith.constant 1 : i32
          %sub3A_153 = arith.subi %mul3A_149, %sub3A_152 : i32
          %eq3A_154 = arith.cmpi eq, %while3A_142, %sub3A_153 : i32
          %add3A_155 = arith.addi %while3A_147, %select_n3A_14 : i32
          %sub3A_156 = arith.constant 1 : i32
          %sub3A_157 = arith.subi %while3A_147, %sub3A_156 : i32
          %select_n3A_158 = arith.constant true
          %select_n3A_159 = arith.select %select_n3A_158, %sub3A_157, %while3A_147 : i32
          %eq3A_160 = arith.constant -1 : i32
          %eq3A_161 = arith.cmpi eq, %select_n3A_159, %eq3A_160 : i32
          %sub3A_162 = arith.constant 1 : i32
          %sub3A_163 = arith.subi %select_n3A, %sub3A_162 : i32
          %select_n3A_164 = arith.select %eq3A_161, %sub3A_163, %select_n3A_159 : i32
          %add3A_165 = arith.addi %select_n3A_164, %select_n3A_14 : i32
          %add3A_166 = arith.constant 1 : i32
          %add3A_167 = arith.addi %while3A_147, %add3A_166 : i32
          %select_n3A_168 = arith.constant true
          %select_n3A_169 = arith.select %select_n3A_168, %add3A_167, %while3A_147 : i32
          %eq3A_170 = arith.cmpi eq, %select_n3A_169, %select_n3A : i32
          %select_n3A_171 = arith.constant 0 : i32
          %select_n3A_172 = arith.select %eq3A_170, %select_n3A_171, %select_n3A_169 : i32
          %add3A_173 = arith.addi %select_n3A_172, %select_n3A_14 : i32
          %add3A_174 = arith.constant 1 : i32
          %add3A_175 = arith.addi %select_n3A_172, %add3A_174 : i32
          %select_n3A_176 = arith.constant true
          %select_n3A_177 = arith.select %select_n3A_176, %add3A_175, %select_n3A_172 : i32
          %eq3A_178 = arith.cmpi eq, %select_n3A_177, %select_n3A : i32
          %select_n3A_179 = arith.constant 0 : i32
          %select_n3A_180 = arith.select %eq3A_178, %select_n3A_179, %select_n3A_177 : i32
          %add3A_181 = arith.addi %select_n3A_180, %select_n3A_14 : i32
          %ne3A = arith.cmpi ne, %add3A_155, %add3A_173 : i32
          %or3A = arith.constant false
          %or3A_182 = arith.ori %or3A, %ne3A : i1
          %sub3A_183 = arith.constant 2 : i32
          %sub3A_184 = arith.subi %mul3A_149, %sub3A_183 : i32
          %add3A_185 = arith.constant 1 : i32
          %add3A_186 = arith.addi %sub3A_184, %add3A_185 : i32
          %ge3A = arith.cmpi sge, %while3A_142, %add3A_186 : i32
          %not3A = arith.constant true
          %not3A_187 = arith.xori %ge3A, %not3A : i1
          %and3A = arith.andi %or3A_182, %not3A_187 : i1
          %convert_element_type3A_188 = arith.extui %and3A : i1 to i32
          %cond3A_189 = arith.constant 0 : i32
          %cond3A_190 = arith.cmpi ne, %convert_element_type3A_188, %cond3A_189 : i32
          scf.if %cond3A_190 {
            "tpu.trace_start"() <{level = 10 : i32, message = "ep_copy_in"}> : () -> ()
            %rem3A_294 = arith.constant 2 : i32
            %rem3A_295 = arith.remui %while3A_143, %rem3A_294 : i32
            %mul3A_296 = arith.constant 128 : i32
            %mul3A_297 = arith.muli %mul3A_296, %add3A_173 : i32
            %dma_start3A_298 = arith.constant 0 : i32
            %dma_start3A_299 = arith.constant 0 : i32
            %dma_start3A_300 = tpu.memref_slice %run_scoped3A[%rem3A_295, %dma_start3A_298, %dma_start3A_299] : memref<2x1x128xi32, #tpu.memory_space<vmem>> -> memref<1x1x128xi32, #tpu.memory_space<vmem>>
            %dma_start3A_301 = tpu.memref_squeeze %dma_start3A_300 : memref<1x1x128xi32, #tpu.memory_space<vmem>> -> memref<1x128xi32, #tpu.memory_space<vmem>>
            %dma_start3A_302 = arith.constant 0 : i32
            %dma_start3A_303 = tpu.memref_slice %arg3[%dma_start3A_302, %mul3A_297] : memref<1x51200xi32, #tpu.memory_space<hbm>> -> memref<1x128xi32, #tpu.memory_space<hbm>>
            %dma_start3A_304 = tpu.memref_slice %run_scoped3A_17[%rem3A_295] : memref<2x!tpu.dma_semaphore, #tpu.memory_space<semaphore_mem>> -> memref<1x!tpu.dma_semaphore, #tpu.memory_space<semaphore_mem>>
            %dma_start3A_305 = tpu.memref_squeeze %dma_start3A_304 : memref<1x!tpu.dma_semaphore, #tpu.memory_space<semaphore_mem>> -> memref<!tpu.dma_semaphore, #tpu.memory_space<semaphore_mem>>
            %dma_start3A_306 = arith.constant 0 : i32
            %dma_start3A_307 = arith.constant 0 : i32
            %dma_start3A_308 = tpu.memref_slice %run_scoped3A[%rem3A_295, %dma_start3A_306, %dma_start3A_307] : memref<2x1x128xi32, #tpu.memory_space<vmem>> -> memref<1x1x128xi32, #tpu.memory_space<vmem>>
            %dma_start3A_309 = tpu.memref_squeeze %dma_start3A_308 : memref<1x1x128xi32, #tpu.memory_space<vmem>> -> memref<1x128xi32, #tpu.memory_space<vmem>>
            %dma_start3A_310 = arith.constant 0 : i32
            %dma_start3A_311 = tpu.memref_slice %arg3[%dma_start3A_310, %mul3A_297] : memref<1x51200xi32, #tpu.memory_space<hbm>> -> memref<1x128xi32, #tpu.memory_space<hbm>>
            tpu.enqueue_dma source(%dma_start3A_311 : memref<1x128xi32, #tpu.memory_space<hbm>>) target(%dma_start3A_309 : memref<1x128xi32, #tpu.memory_space<vmem>>) target_semaphore(%dma_start3A_305 : memref<!tpu.dma_semaphore, #tpu.memory_space<semaphore_mem>>)
            "tpu.trace_stop"() : () -> ()
          } else {
          }
          %and3A_191 = arith.constant true
          %and3A_192 = arith.andi %and3A, %and3A_191 : i1
          %add3A_193 = arith.constant 1 : i32
          %add3A_194 = arith.addi %while3A_143, %add3A_193 : i32
          %select_n3A_195 = arith.select %and3A_192, %add3A_194, %while3A_143 : i32
          %ne3A_196 = arith.cmpi ne, %add3A_155, %add3A_173 : i32
          %or3A_197 = arith.constant false
          %or3A_198 = arith.ori %or3A_197, %ne3A_196 : i1
          %or3A_199 = arith.constant false
          %or3A_200 = arith.ori %or3A_198, %or3A_199 : i1
          %sub3A_201 = arith.constant 2 : i32
          %sub3A_202 = arith.subi %mul3A_149, %sub3A_201 : i32
          %add3A_203 = arith.constant 1 : i32
          %add3A_204 = arith.addi %sub3A_202, %add3A_203 : i32
          %ge3A_205 = arith.cmpi sge, %while3A_142, %add3A_204 : i32
          %not3A_206 = arith.constant true
          %not3A_207 = arith.xori %ge3A_205, %not3A_206 : i1
          %and3A_208 = arith.andi %or3A_200, %not3A_207 : i1
          %ne3A_209 = arith.cmpi ne, %add3A_155, %add3A_165 : i32
          %or3A_210 = arith.constant false
          %or3A_211 = arith.ori %or3A_210, %ne3A_209 : i1
          %or3A_212 = arith.ori %or3A_211, %eq3A_151 : i1
          %convert_element_type3A_213 = arith.extui %or3A_212 : i1 to i32
          %cond3A_214 = arith.constant 0 : i32
          %cond3A_215 = arith.cmpi ne, %convert_element_type3A_213, %cond3A_214 : i32
          scf.if %cond3A_215 {
            "tpu.trace_start"() <{level = 10 : i32, message = "ep_wait_in"}> : () -> ()
            %mul3A_294 = arith.constant 128 : i32
            %mul3A_295 = arith.muli %mul3A_294, %add3A_155 : i32
            %rem3A_296 = arith.constant 2 : i32
            %rem3A_297 = arith.remui %while3A_144, %rem3A_296 : i32
            %dma_wait3A = arith.constant 0 : i32
            %dma_wait3A_298 = arith.constant 0 : i32
            %dma_wait3A_299 = tpu.memref_slice %run_scoped3A[%rem3A_297, %dma_wait3A, %dma_wait3A_298] : memref<2x1x128xi32, #tpu.memory_space<vmem>> -> memref<1x1x128xi32, #tpu.memory_space<vmem>>
            %dma_wait3A_300 = tpu.memref_squeeze %dma_wait3A_299 : memref<1x1x128xi32, #tpu.memory_space<vmem>> -> memref<1x128xi32, #tpu.memory_space<vmem>>
            %dma_wait3A_301 = arith.constant 0 : i32
            %dma_wait3A_302 = tpu.memref_slice %arg3[%dma_wait3A_301, %mul3A_295] : memref<1x51200xi32, #tpu.memory_space<hbm>> -> memref<1x128xi32, #tpu.memory_space<hbm>>
            %dma_wait3A_303 = tpu.memref_slice %run_scoped3A_17[%rem3A_297] : memref<2x!tpu.dma_semaphore, #tpu.memory_space<semaphore_mem>> -> memref<1x!tpu.dma_semaphore, #tpu.memory_space<semaphore_mem>>
            %dma_wait3A_304 = tpu.memref_squeeze %dma_wait3A_303 : memref<1x!tpu.dma_semaphore, #tpu.memory_space<semaphore_mem>> -> memref<!tpu.dma_semaphore, #tpu.memory_space<semaphore_mem>>
            %dma_wait3A_305 = arith.constant 0 : i32
            %dma_wait3A_306 = arith.constant 0 : i32
            %dma_wait3A_307 = tpu.memref_slice %run_scoped3A[%rem3A_297, %dma_wait3A_305, %dma_wait3A_306] : memref<2x1x128xi32, #tpu.memory_space<vmem>> -> memref<1x1x128xi32, #tpu.memory_space<vmem>>
            %dma_wait3A_308 = tpu.memref_squeeze %dma_wait3A_307 : memref<1x1x128xi32, #tpu.memory_space<vmem>> -> memref<1x128xi32, #tpu.memory_space<vmem>>
            %dma_wait3A_309 = arith.constant 0 : i32
            %dma_wait3A_310 = tpu.memref_slice %arg3[%dma_wait3A_309, %mul3A_295] : memref<1x51200xi32, #tpu.memory_space<hbm>> -> memref<1x128xi32, #tpu.memory_space<hbm>>
            tpu.wait_dma2 semaphore(%dma_wait3A_304 : memref<!tpu.dma_semaphore, #tpu.memory_space<semaphore_mem>>) src(%dma_wait3A_310 : memref<1x128xi32, #tpu.memory_space<hbm>>) dst(%dma_wait3A_308 : memref<1x128xi32, #tpu.memory_space<vmem>>)
            "tpu.trace_stop"() : () -> ()
          } else {
          }
          %ne3A_216 = arith.cmpi ne, %add3A_155, %add3A_165 : i32
          %or3A_217 = arith.constant false
          %or3A_218 = arith.ori %or3A_217, %ne3A_216 : i1
          %or3A_219 = arith.constant false
          %or3A_220 = arith.ori %or3A_218, %or3A_219 : i1
          %or3A_221 = arith.ori %or3A_220, %eq3A_151 : i1
          %convert_element_type3A_222 = arith.extui %or3A_221 : i1 to i32
          %cond3A_223 = arith.constant 0 : i32
          %cond3A_224 = arith.cmpi ne, %convert_element_type3A_222, %cond3A_223 : i32
          scf.if %cond3A_224 {
          } else {
          }
          %rem3A_225 = arith.constant 2 : i32
          %rem3A_226 = arith.remui %while3A_144, %rem3A_225 : i32
          %rem3A_227 = arith.constant 2 : i32
          %rem3A_228 = arith.remui %while3A_145, %rem3A_227 : i32
          %run_scoped3A_229 = arith.constant 0 : i32
          "tpu.trace_start"() <{level = 10 : i32, message = "ep_run_kernel"}> : () -> ()
          "tpu.region"() ({
            %run_scoped3A_294 = tpu.sem_alloc : memref<!tpu.dma_semaphore, #tpu.memory_space<semaphore_mem>>
            %dma_start3A_295 = arith.constant 0 : i32
            %dma_start3A_296 = arith.constant 0 : i32
            %dma_start3A_297 = tpu.memref_slice %run_scoped3A_18[%rem3A_228, %dma_start3A_295, %dma_start3A_296] : memref<2x128x384xi32, #tpu.memory_space<vmem>> -> memref<1x128x384xi32, #tpu.memory_space<vmem>>
            %dma_start3A_298 = tpu.memref_squeeze %dma_start3A_297 : memref<1x128x384xi32, #tpu.memory_space<vmem>> -> memref<128x384xi32, #tpu.memory_space<vmem>>
            %dma_start3A_299 = arith.constant 0 : i32
            %dma_start3A_300 = arith.constant 0 : i32
            %dma_start3A_301 = tpu.memref_slice %run_scoped3A[%rem3A_226, %dma_start3A_299, %dma_start3A_300] : memref<2x1x128xi32, #tpu.memory_space<vmem>> -> memref<1x1x128xi32, #tpu.memory_space<vmem>>
            %dma_start3A_302 = tpu.memref_squeeze %dma_start3A_301 : memref<1x1x128xi32, #tpu.memory_space<vmem>> -> memref<1x128xi32, #tpu.memory_space<vmem>>
            %dma_start3A_303 = arith.constant 0 : i32
            %dma_start3A_304 = tpu.memref_slice %dma_start3A_302[%run_scoped3A_229, %dma_start3A_303] : memref<1x128xi32, #tpu.memory_space<vmem>> -> memref<1x128xi32, #tpu.memory_space<vmem>>
            %dma_start3A_305 = tpu.memref_squeeze %dma_start3A_304 : memref<1x128xi32, #tpu.memory_space<vmem>> -> memref<128xi32, #tpu.memory_space<vmem>>
            %dma_start3A_306 = arith.constant 0 : i32
            %dma_start3A_307 = arith.constant 0 : i32
            %dma_start3A_308 = tpu.memref_slice %arg2[%dma_start3A_306, %dma_start3A_307] : memref<2048x384xi32, #tpu.memory_space<hbm>> -> memref<2048x384xi32, #tpu.memory_space<hbm>>
            tpu.enqueue_indirect_dma source(%dma_start3A_308 : memref<2048x384xi32, #tpu.memory_space<hbm>>) target(%dma_start3A_298 : memref<128x384xi32, #tpu.memory_space<vmem>>) offsets(%dma_start3A_305 : memref<128xi32, #tpu.memory_space<vmem>>) semaphore(%run_scoped3A_294 : memref<!tpu.dma_semaphore, #tpu.memory_space<semaphore_mem>>)
            %dma_wait3A = arith.constant 0 : i32
            %dma_wait3A_309 = arith.constant 0 : i32
            %dma_wait3A_310 = tpu.memref_slice %run_scoped3A_18[%rem3A_228, %dma_wait3A, %dma_wait3A_309] : memref<2x128x384xi32, #tpu.memory_space<vmem>> -> memref<1x128x384xi32, #tpu.memory_space<vmem>>
            %dma_wait3A_311 = tpu.memref_squeeze %dma_wait3A_310 : memref<1x128x384xi32, #tpu.memory_space<vmem>> -> memref<128x384xi32, #tpu.memory_space<vmem>>
            %dma_wait3A_312 = arith.constant 0 : i32
            %dma_wait3A_313 = arith.constant 0 : i32
            %dma_wait3A_314 = tpu.memref_slice %run_scoped3A[%rem3A_226, %dma_wait3A_312, %dma_wait3A_313] : memref<2x1x128xi32, #tpu.memory_space<vmem>> -> memref<1x1x128xi32, #tpu.memory_space<vmem>>
            %dma_wait3A_315 = tpu.memref_squeeze %dma_wait3A_314 : memref<1x1x128xi32, #tpu.memory_space<vmem>> -> memref<1x128xi32, #tpu.memory_space<vmem>>
            %dma_wait3A_316 = arith.constant 0 : i32
            %dma_wait3A_317 = tpu.memref_slice %dma_wait3A_315[%run_scoped3A_229, %dma_wait3A_316] : memref<1x128xi32, #tpu.memory_space<vmem>> -> memref<1x128xi32, #tpu.memory_space<vmem>>
            %dma_wait3A_318 = tpu.memref_squeeze %dma_wait3A_317 : memref<1x128xi32, #tpu.memory_space<vmem>> -> memref<128xi32, #tpu.memory_space<vmem>>
            %dma_wait3A_319 = arith.constant 0 : i32
            %dma_wait3A_320 = arith.constant 0 : i32
            %dma_wait3A_321 = tpu.memref_slice %arg2[%dma_wait3A_319, %dma_wait3A_320] : memref<2048x384xi32, #tpu.memory_space<hbm>> -> memref<2048x384xi32, #tpu.memory_space<hbm>>
            tpu.wait_indirect_dma semaphore(%run_scoped3A_294 : memref<!tpu.dma_semaphore, #tpu.memory_space<semaphore_mem>>) src(%dma_wait3A_321 : memref<2048x384xi32, #tpu.memory_space<hbm>>) dst(%dma_wait3A_311 : memref<128x384xi32, #tpu.memory_space<vmem>>)
            tpu.yield
          }) : () -> ()
          "tpu.trace_stop"() : () -> ()
          %ne3A_230 = arith.cmpi ne, %add3A_155, %add3A_173 : i32
          %or3A_231 = arith.constant false
          %or3A_232 = arith.ori %or3A_231, %ne3A_230 : i1
          %or3A_233 = arith.ori %or3A_232, %eq3A_154 : i1
          %convert_element_type3A_234 = arith.extui %or3A_233 : i1 to i32
          %cond3A_235 = arith.constant 0 : i32
          %cond3A_236 = arith.cmpi ne, %convert_element_type3A_234, %cond3A_235 : i32
          scf.if %cond3A_236 {
          } else {
          }
          %and3A_237 = arith.constant false
          %and3A_238 = arith.andi %or3A_233, %and3A_237 : i1
          %ne3A_239 = arith.cmpi ne, %add3A_155, %add3A_173 : i32
          %or3A_240 = arith.constant false
          %or3A_241 = arith.ori %or3A_240, %ne3A_239 : i1
          %or3A_242 = arith.constant false
          %or3A_243 = arith.ori %or3A_241, %or3A_242 : i1
          %or3A_244 = arith.ori %or3A_243, %eq3A_154 : i1
          %convert_element_type3A_245 = arith.extui %or3A_244 : i1 to i32
          %cond3A_246 = arith.constant 0 : i32
          %cond3A_247 = arith.cmpi ne, %convert_element_type3A_245, %cond3A_246 : i32
          scf.if %cond3A_247 {
            "tpu.trace_start"() <{level = 10 : i32, message = "ep_copy_out"}> : () -> ()
            %rem3A_294 = arith.constant 2 : i32
            %rem3A_295 = arith.remui %while3A_145, %rem3A_294 : i32
            %mul3A_296 = arith.constant 128 : i32
            %mul3A_297 = arith.muli %mul3A_296, %add3A_155 : i32
            %dma_start3A_298 = arith.constant 0 : i32
            %dma_start3A_299 = arith.constant 0 : i32
            %dma_start3A_300 = tpu.memref_slice %run_scoped3A_18[%rem3A_295, %dma_start3A_298, %dma_start3A_299] : memref<2x128x384xi32, #tpu.memory_space<vmem>> -> memref<1x128x384xi32, #tpu.memory_space<vmem>>
            %dma_start3A_301 = tpu.memref_squeeze %dma_start3A_300 : memref<1x128x384xi32, #tpu.memory_space<vmem>> -> memref<128x384xi32, #tpu.memory_space<vmem>>
            %dma_start3A_302 = arith.constant 0 : i32
            %dma_start3A_303 = tpu.memref_slice %arg4[%mul3A_297, %dma_start3A_302] : memref<51200x384xi32, #tpu.memory_space<hbm>> -> memref<128x384xi32, #tpu.memory_space<hbm>>
            %dma_start3A_304 = tpu.memref_slice %run_scoped3A_19[%rem3A_295] : memref<2x!tpu.dma_semaphore, #tpu.memory_space<semaphore_mem>> -> memref<1x!tpu.dma_semaphore, #tpu.memory_space<semaphore_mem>>
            %dma_start3A_305 = tpu.memref_squeeze %dma_start3A_304 : memref<1x!tpu.dma_semaphore, #tpu.memory_space<semaphore_mem>> -> memref<!tpu.dma_semaphore, #tpu.memory_space<semaphore_mem>>
            %dma_start3A_306 = arith.constant 0 : i32
            %dma_start3A_307 = tpu.memref_slice %arg4[%mul3A_297, %dma_start3A_306] : memref<51200x384xi32, #tpu.memory_space<hbm>> -> memref<128x384xi32, #tpu.memory_space<hbm>>
            %dma_start3A_308 = arith.constant 0 : i32
            %dma_start3A_309 = arith.constant 0 : i32
            %dma_start3A_310 = tpu.memref_slice %run_scoped3A_18[%rem3A_295, %dma_start3A_308, %dma_start3A_309] : memref<2x128x384xi32, #tpu.memory_space<vmem>> -> memref<1x128x384xi32, #tpu.memory_space<vmem>>
            %dma_start3A_311 = tpu.memref_squeeze %dma_start3A_310 : memref<1x128x384xi32, #tpu.memory_space<vmem>> -> memref<128x384xi32, #tpu.memory_space<vmem>>
            tpu.enqueue_dma source(%dma_start3A_311 : memref<128x384xi32, #tpu.memory_space<vmem>>) target(%dma_start3A_307 : memref<128x384xi32, #tpu.memory_space<hbm>>) target_semaphore(%dma_start3A_305 : memref<!tpu.dma_semaphore, #tpu.memory_space<semaphore_mem>>)
            "tpu.trace_stop"() : () -> ()
          } else {
          }
          %and3A_248 = arith.constant true
          %and3A_249 = arith.andi %or3A_244, %and3A_248 : i1
          %add3A_250 = arith.constant 1 : i32
          %add3A_251 = arith.addi %while3A_145, %add3A_250 : i32
          %select_n3A_252 = arith.select %and3A_249, %add3A_251, %while3A_145 : i32
          %ne3A_253 = arith.cmpi ne, %add3A_155, %add3A_165 : i32
          %or3A_254 = arith.constant false
          %or3A_255 = arith.ori %or3A_254, %ne3A_253 : i1
          %not3A_256 = arith.constant true
          %not3A_257 = arith.xori %eq3A_151, %not3A_256 : i1
          %and3A_258 = arith.andi %or3A_255, %not3A_257 : i1
          %convert_element_type3A_259 = arith.extui %and3A_258 : i1 to i32
          %cond3A_260 = arith.constant 0 : i32
          %cond3A_261 = arith.cmpi ne, %convert_element_type3A_259, %cond3A_260 : i32
          scf.if %cond3A_261 {
          } else {
          }
          %and3A_262 = arith.constant false
          %and3A_263 = arith.andi %and3A_258, %and3A_262 : i1
          %ne3A_264 = arith.cmpi ne, %add3A_155, %add3A_165 : i32
          %or3A_265 = arith.constant false
          %or3A_266 = arith.ori %or3A_265, %ne3A_264 : i1
          %or3A_267 = arith.constant false
          %or3A_268 = arith.ori %or3A_266, %or3A_267 : i1
          %not3A_269 = arith.constant true
          %not3A_270 = arith.xori %eq3A_151, %not3A_269 : i1
          %and3A_271 = arith.andi %or3A_268, %not3A_270 : i1
          %convert_element_type3A_272 = arith.extui %and3A_271 : i1 to i32
          %cond3A_273 = arith.constant 0 : i32
          %cond3A_274 = arith.cmpi ne, %convert_element_type3A_272, %cond3A_273 : i32
          scf.if %cond3A_274 {
            "tpu.trace_start"() <{level = 10 : i32, message = "ep_wait_out"}> : () -> ()
            %rem3A_294 = arith.constant 2 : i32
            %rem3A_295 = arith.remui %while3A_146, %rem3A_294 : i32
            %mul3A_296 = arith.constant 128 : i32
            %mul3A_297 = arith.muli %mul3A_296, %add3A_165 : i32
            %dma_wait3A = arith.constant 0 : i32
            %dma_wait3A_298 = arith.constant 0 : i32
            %dma_wait3A_299 = tpu.memref_slice %run_scoped3A_18[%rem3A_295, %dma_wait3A, %dma_wait3A_298] : memref<2x128x384xi32, #tpu.memory_space<vmem>> -> memref<1x128x384xi32, #tpu.memory_space<vmem>>
            %dma_wait3A_300 = tpu.memref_squeeze %dma_wait3A_299 : memref<1x128x384xi32, #tpu.memory_space<vmem>> -> memref<128x384xi32, #tpu.memory_space<vmem>>
            %dma_wait3A_301 = arith.constant 0 : i32
            %dma_wait3A_302 = tpu.memref_slice %arg4[%mul3A_297, %dma_wait3A_301] : memref<51200x384xi32, #tpu.memory_space<hbm>> -> memref<128x384xi32, #tpu.memory_space<hbm>>
            %dma_wait3A_303 = tpu.memref_slice %run_scoped3A_19[%rem3A_295] : memref<2x!tpu.dma_semaphore, #tpu.memory_space<semaphore_mem>> -> memref<1x!tpu.dma_semaphore, #tpu.memory_space<semaphore_mem>>
            %dma_wait3A_304 = tpu.memref_squeeze %dma_wait3A_303 : memref<1x!tpu.dma_semaphore, #tpu.memory_space<semaphore_mem>> -> memref<!tpu.dma_semaphore, #tpu.memory_space<semaphore_mem>>
            %dma_wait3A_305 = arith.constant 0 : i32
            %dma_wait3A_306 = tpu.memref_slice %arg4[%mul3A_297, %dma_wait3A_305] : memref<51200x384xi32, #tpu.memory_space<hbm>> -> memref<128x384xi32, #tpu.memory_space<hbm>>
            %dma_wait3A_307 = arith.constant 0 : i32
            %dma_wait3A_308 = arith.constant 0 : i32
            %dma_wait3A_309 = tpu.memref_slice %run_scoped3A_18[%rem3A_295, %dma_wait3A_307, %dma_wait3A_308] : memref<2x128x384xi32, #tpu.memory_space<vmem>> -> memref<1x128x384xi32, #tpu.memory_space<vmem>>
            %dma_wait3A_310 = tpu.memref_squeeze %dma_wait3A_309 : memref<1x128x384xi32, #tpu.memory_space<vmem>> -> memref<128x384xi32, #tpu.memory_space<vmem>>
            tpu.wait_dma2 semaphore(%dma_wait3A_304 : memref<!tpu.dma_semaphore, #tpu.memory_space<semaphore_mem>>) src(%dma_wait3A_310 : memref<128x384xi32, #tpu.memory_space<vmem>>) dst(%dma_wait3A_306 : memref<128x384xi32, #tpu.memory_space<hbm>>)
            "tpu.trace_stop"() : () -> ()
          } else {
          }
          %and3A_275 = arith.constant true
          %and3A_276 = arith.andi %and3A_271, %and3A_275 : i1
          %add3A_277 = arith.constant 1 : i32
          %add3A_278 = arith.addi %while3A_146, %add3A_277 : i32
          %select_n3A_279 = arith.select %and3A_276, %add3A_278, %while3A_146 : i32
          %ne3A_280 = arith.cmpi ne, %add3A_155, %add3A_173 : i32
          %or3A_281 = arith.constant false
          %or3A_282 = arith.ori %or3A_281, %ne3A_280 : i1
          %or3A_283 = arith.ori %or3A_282, %eq3A_154 : i1
          %add3A_284 = arith.constant 1 : i32
          %add3A_285 = arith.addi %while3A_144, %add3A_284 : i32
          %select_n3A_286 = arith.select %or3A_283, %add3A_285, %while3A_144 : i32
          %add3A_287 = arith.constant 1 : i32
          %add3A_288 = arith.addi %while3A_147, %add3A_287 : i32
          %select_n3A_289 = arith.constant true
          %select_n3A_290 = arith.select %select_n3A_289, %add3A_288, %while3A_147 : i32
          %eq3A_291 = arith.cmpi eq, %select_n3A_290, %select_n3A : i32
          %select_n3A_292 = arith.constant 0 : i32
          %select_n3A_293 = arith.select %eq3A_291, %select_n3A_292, %select_n3A_290 : i32
          scf.yield %select_n3A_195, %select_n3A_286, %select_n3A_252, %select_n3A_279, %select_n3A_293 : i32, i32, i32, i32, i32
        }
        %sub3A_91 = arith.constant 1 : i32
        %sub3A_92 = arith.subi %while3A_90#4, %sub3A_91 : i32
        %select_n3A_93 = arith.constant true
        %select_n3A_94 = arith.select %select_n3A_93, %sub3A_92, %while3A_90#4 : i32
        %eq3A_95 = arith.constant -1 : i32
        %eq3A_96 = arith.cmpi eq, %select_n3A_94, %eq3A_95 : i32
        %sub3A_97 = arith.constant 1 : i32
        %sub3A_98 = arith.subi %select_n3A, %sub3A_97 : i32
        %select_n3A_99 = arith.select %eq3A_96, %sub3A_98, %select_n3A_94 : i32
        %sub3A_100 = arith.constant 1 : i32
        %sub3A_101 = arith.subi %mul3A_16, %sub3A_100 : i32
        %mul3A_102 = arith.constant 1 : i32
        %mul3A_103 = arith.muli %mul3A_102, %select_n3A : i32
        %eq3A_104 = arith.constant 0 : i32
        %eq3A_105 = arith.cmpi eq, %sub3A_101, %eq3A_104 : i32
        %sub3A_106 = arith.constant 1 : i32
        %sub3A_107 = arith.subi %mul3A_103, %sub3A_106 : i32
        %eq3A_108 = arith.cmpi eq, %sub3A_101, %sub3A_107 : i32
        %add3A_109 = arith.addi %select_n3A_99, %select_n3A_14 : i32
        %sub3A_110 = arith.constant 1 : i32
        %sub3A_111 = arith.subi %select_n3A_99, %sub3A_110 : i32
        %select_n3A_112 = arith.constant true
        %select_n3A_113 = arith.select %select_n3A_112, %sub3A_111, %select_n3A_99 : i32
        %eq3A_114 = arith.constant -1 : i32
        %eq3A_115 = arith.cmpi eq, %select_n3A_113, %eq3A_114 : i32
        %sub3A_116 = arith.constant 1 : i32
        %sub3A_117 = arith.subi %select_n3A, %sub3A_116 : i32
        %select_n3A_118 = arith.select %eq3A_115, %sub3A_117, %select_n3A_113 : i32
        %add3A_119 = arith.addi %select_n3A_118, %select_n3A_14 : i32
        %add3A_120 = arith.constant 1 : i32
        %add3A_121 = arith.addi %select_n3A_99, %add3A_120 : i32
        %select_n3A_122 = arith.constant true
        %select_n3A_123 = arith.select %select_n3A_122, %add3A_121, %select_n3A_99 : i32
        %eq3A_124 = arith.cmpi eq, %select_n3A_123, %select_n3A : i32
        %select_n3A_125 = arith.constant 0 : i32
        %select_n3A_126 = arith.select %eq3A_124, %select_n3A_125, %select_n3A_123 : i32
        %add3A_127 = arith.addi %select_n3A_126, %select_n3A_14 : i32
        %add3A_128 = arith.constant 1 : i32
        %add3A_129 = arith.addi %select_n3A_126, %add3A_128 : i32
        %select_n3A_130 = arith.constant true
        %select_n3A_131 = arith.select %select_n3A_130, %add3A_129, %select_n3A_126 : i32
        %eq3A_132 = arith.cmpi eq, %select_n3A_131, %select_n3A : i32
        %select_n3A_133 = arith.constant 0 : i32
        %select_n3A_134 = arith.select %eq3A_132, %select_n3A_133, %select_n3A_131 : i32
        %add3A_135 = arith.addi %select_n3A_134, %select_n3A_14 : i32
        %convert_element_type3A_136 = arith.extui %eq3A_108 : i1 to i32
        %cond3A_137 = arith.constant 0 : i32
        %cond3A_138 = arith.cmpi ne, %convert_element_type3A_136, %cond3A_137 : i32
        scf.if %cond3A_138 {
        } else {
        }
        %convert_element_type3A_139 = arith.extui %eq3A_108 : i1 to i32
        %cond3A_140 = arith.constant 0 : i32
        %cond3A_141 = arith.cmpi ne, %convert_element_type3A_139, %cond3A_140 : i32
        scf.if %cond3A_141 {
          "tpu.trace_start"() <{level = 10 : i32, message = "ep_finalize"}> : () -> ()
          %rem3A_142 = arith.constant 2 : i32
          %rem3A_143 = arith.remui %while3A_90#3, %rem3A_142 : i32
          %mul3A_144 = arith.constant 128 : i32
          %mul3A_145 = arith.muli %mul3A_144, %add3A_109 : i32
          %dma_wait3A = arith.constant 0 : i32
          %dma_wait3A_146 = arith.constant 0 : i32
          %dma_wait3A_147 = tpu.memref_slice %run_scoped3A_18[%rem3A_143, %dma_wait3A, %dma_wait3A_146] : memref<2x128x384xi32, #tpu.memory_space<vmem>> -> memref<1x128x384xi32, #tpu.memory_space<vmem>>
          %dma_wait3A_148 = tpu.memref_squeeze %dma_wait3A_147 : memref<1x128x384xi32, #tpu.memory_space<vmem>> -> memref<128x384xi32, #tpu.memory_space<vmem>>
          %dma_wait3A_149 = arith.constant 0 : i32
          %dma_wait3A_150 = tpu.memref_slice %arg4[%mul3A_145, %dma_wait3A_149] : memref<51200x384xi32, #tpu.memory_space<hbm>> -> memref<128x384xi32, #tpu.memory_space<hbm>>
          %dma_wait3A_151 = tpu.memref_slice %run_scoped3A_19[%rem3A_143] : memref<2x!tpu.dma_semaphore, #tpu.memory_space<semaphore_mem>> -> memref<1x!tpu.dma_semaphore, #tpu.memory_space<semaphore_mem>>
          %dma_wait3A_152 = tpu.memref_squeeze %dma_wait3A_151 : memref<1x!tpu.dma_semaphore, #tpu.memory_space<semaphore_mem>> -> memref<!tpu.dma_semaphore, #tpu.memory_space<semaphore_mem>>
          %dma_wait3A_153 = arith.constant 0 : i32
          %dma_wait3A_154 = tpu.memref_slice %arg4[%mul3A_145, %dma_wait3A_153] : memref<51200x384xi32, #tpu.memory_space<hbm>> -> memref<128x384xi32, #tpu.memory_space<hbm>>
          %dma_wait3A_155 = arith.constant 0 : i32
          %dma_wait3A_156 = arith.constant 0 : i32
          %dma_wait3A_157 = tpu.memref_slice %run_scoped3A_18[%rem3A_143, %dma_wait3A_155, %dma_wait3A_156] : memref<2x128x384xi32, #tpu.memory_space<vmem>> -> memref<1x128x384xi32, #tpu.memory_space<vmem>>
          %dma_wait3A_158 = tpu.memref_squeeze %dma_wait3A_157 : memref<1x128x384xi32, #tpu.memory_space<vmem>> -> memref<128x384xi32, #tpu.memory_space<vmem>>
          tpu.wait_dma2 semaphore(%dma_wait3A_152 : memref<!tpu.dma_semaphore, #tpu.memory_space<semaphore_mem>>) src(%dma_wait3A_158 : memref<128x384xi32, #tpu.memory_space<vmem>>) dst(%dma_wait3A_154 : memref<128x384xi32, #tpu.memory_space<hbm>>)
          "tpu.trace_stop"() : () -> ()
        } else {
        }
      } else {
      }
      tpu.yield
    }) : () -> ()
    return
  }
}

module attributes {stable_mosaic.version = 14 : i64} {
  func.func @_proj_body(%arg0: i32, %arg1: memref<256x768xf32, #tpu.memory_space<vmem>>, %arg2: memref<256x768xf32, #tpu.memory_space<vmem>>, %arg3: memref<256x768xf32, #tpu.memory_space<vmem>>, %arg4: memref<768x768xf32, #tpu.memory_space<vmem>>, %arg5: memref<1x768xf32, #tpu.memory_space<vmem>>, %arg6: memref<768x768xf32, #tpu.memory_space<vmem>>, %arg7: memref<1x768xf32, #tpu.memory_space<vmem>>, %arg8: memref<768x768xf32, #tpu.memory_space<vmem>>, %arg9: memref<1x768xf32, #tpu.memory_space<vmem>>, %arg10: memref<768x768xf32, #tpu.memory_space<vmem>>, %arg11: memref<1x768xf32, #tpu.memory_space<vmem>>, %arg12: memref<256x768xf32, #tpu.memory_space<vmem>>, %arg13: memref<256x768xf32, #tpu.memory_space<vmem>>, %arg14: memref<256x768xbf16, #tpu.memory_space<vmem>>, %arg15: memref<256x768xbf16, #tpu.memory_space<vmem>>, %arg16: memref<256x384xi32, #tpu.memory_space<vmem>>) attributes {dimension_semantics = [#tpu.dimension_semantics<arbitrary>], iteration_bounds = array<i64: 8>, scalar_prefetch = 0 : i64, scratch_operands = 0 : i64, tpu.core_type = #tpu.core_type<tc>, window_params = [{transform_indices = @transform_0, window_bounds = array<i64: 256, 768>}, {transform_indices = @transform_1, window_bounds = array<i64: 256, 768>}, {transform_indices = @transform_2, window_bounds = array<i64: 256, 768>}, {pipeline_mode = #tpu.pipeline_mode<synchronous>, transform_indices = @transform_3, window_bounds = array<i64: 768, 768>}, {pipeline_mode = #tpu.pipeline_mode<synchronous>, transform_indices = @transform_4, window_bounds = array<i64: 1, 768>}, {pipeline_mode = #tpu.pipeline_mode<synchronous>, transform_indices = @transform_5, window_bounds = array<i64: 768, 768>}, {pipeline_mode = #tpu.pipeline_mode<synchronous>, transform_indices = @transform_6, window_bounds = array<i64: 1, 768>}, {pipeline_mode = #tpu.pipeline_mode<synchronous>, transform_indices = @transform_7, window_bounds = array<i64: 768, 768>}, {pipeline_mode = #tpu.pipeline_mode<synchronous>, transform_indices = @transform_8, window_bounds = array<i64: 1, 768>}, {pipeline_mode = #tpu.pipeline_mode<synchronous>, transform_indices = @transform_9, window_bounds = array<i64: 768, 768>}, {pipeline_mode = #tpu.pipeline_mode<synchronous>, transform_indices = @transform_10, window_bounds = array<i64: 1, 768>}, {transform_indices = @transform_11, window_bounds = array<i64: 256, 768>}, {transform_indices = @transform_12, window_bounds = array<i64: 256, 768>}, {transform_indices = @transform_13, window_bounds = array<i64: 256, 768>}, {transform_indices = @transform_14, window_bounds = array<i64: 256, 768>}, {transform_indices = @transform_15, window_bounds = array<i64: 256, 384>}]} {
    %get3A = arith.constant 0 : index
    %get3A_0 = arith.constant 0 : index
    %get3A_1 = vector.load %arg1[%get3A, %get3A_0] : memref<256x768xf32, #tpu.memory_space<vmem>>, vector<256x768xf32>
    %get3A_2 = arith.constant 0 : index
    %get3A_3 = arith.constant 0 : index
    %get3A_4 = vector.load %arg4[%get3A_2, %get3A_3] : memref<768x768xf32, #tpu.memory_space<vmem>>, vector<768x768xf32>
    %dot_general3A = arith.constant dense<0.000000e+00> : vector<256x768xf32>
    %dot_general3A_5 = tpu.matmul %get3A_1, %get3A_4, %dot_general3A {dimension_numbers = #tpu.dot_dimension_numbers<[1], [0], [0], [1], [0, 0, 1, 1], [], []>, transpose_lhs_hint = false} : vector<256x768xf32>, vector<768x768xf32>, vector<256x768xf32> -> vector<256x768xf32>
    %get3A_6 = arith.constant 0 : index
    %get3A_7 = arith.constant 0 : index
    %get3A_8 = vector.load %arg5[%get3A_6, %get3A_7] : memref<1x768xf32, #tpu.memory_space<vmem>>, vector<1x768xf32>
    %add3A = vector.broadcast %get3A_8 : vector<1x768xf32> to vector<256x768xf32>
    %add3A_9 = arith.addf %dot_general3A_5, %add3A : vector<256x768xf32>
    %swap3A = arith.constant 0 : index
    %swap3A_10 = arith.constant 0 : index
    %swap3A_11 = vector.load %arg12[%swap3A, %swap3A_10] : memref<256x768xf32, #tpu.memory_space<vmem>>, vector<256x768xf32>
    tpu.vector_store %arg12[%swap3A, %swap3A_10], %add3A_9 {strides = array<i32>} : memref<256x768xf32, #tpu.memory_space<vmem>>, vector<256x768xf32>,
    %get3A_12 = arith.constant 0 : index
    %get3A_13 = arith.constant 0 : index
    %get3A_14 = vector.load %arg6[%get3A_12, %get3A_13] : memref<768x768xf32, #tpu.memory_space<vmem>>, vector<768x768xf32>
    %dot_general3A_15 = arith.constant dense<0.000000e+00> : vector<256x768xf32>
    %dot_general3A_16 = tpu.matmul %get3A_1, %get3A_14, %dot_general3A_15 {dimension_numbers = #tpu.dot_dimension_numbers<[1], [0], [0], [1], [0, 0, 1, 1], [], []>, transpose_lhs_hint = false} : vector<256x768xf32>, vector<768x768xf32>, vector<256x768xf32> -> vector<256x768xf32>
    %get3A_17 = arith.constant 0 : index
    %get3A_18 = arith.constant 0 : index
    %get3A_19 = vector.load %arg7[%get3A_17, %get3A_18] : memref<1x768xf32, #tpu.memory_space<vmem>>, vector<1x768xf32>
    %add3A_20 = vector.broadcast %get3A_19 : vector<1x768xf32> to vector<256x768xf32>
    %add3A_21 = arith.addf %dot_general3A_16, %add3A_20 : vector<256x768xf32>
    %swap3A_22 = arith.constant 0 : index
    %swap3A_23 = arith.constant 0 : index
    %swap3A_24 = vector.load %arg13[%swap3A_22, %swap3A_23] : memref<256x768xf32, #tpu.memory_space<vmem>>, vector<256x768xf32>
    tpu.vector_store %arg13[%swap3A_22, %swap3A_23], %add3A_21 {strides = array<i32>} : memref<256x768xf32, #tpu.memory_space<vmem>>, vector<256x768xf32>,
    %get3A_25 = arith.constant 0 : index
    %get3A_26 = arith.constant 0 : index
    %get3A_27 = vector.load %arg2[%get3A_25, %get3A_26] : memref<256x768xf32, #tpu.memory_space<vmem>>, vector<256x768xf32>
    %get3A_28 = arith.constant 0 : index
    %get3A_29 = arith.constant 0 : index
    %get3A_30 = vector.load %arg8[%get3A_28, %get3A_29] : memref<768x768xf32, #tpu.memory_space<vmem>>, vector<768x768xf32>
    %dot_general3A_31 = arith.constant dense<0.000000e+00> : vector<256x768xf32>
    %dot_general3A_32 = tpu.matmul %get3A_27, %get3A_30, %dot_general3A_31 {dimension_numbers = #tpu.dot_dimension_numbers<[1], [0], [0], [1], [0, 0, 1, 1], [], []>, transpose_lhs_hint = false} : vector<256x768xf32>, vector<768x768xf32>, vector<256x768xf32> -> vector<256x768xf32>
    %get3A_33 = arith.constant 0 : index
    %get3A_34 = arith.constant 0 : index
    %get3A_35 = vector.load %arg9[%get3A_33, %get3A_34] : memref<1x768xf32, #tpu.memory_space<vmem>>, vector<1x768xf32>
    %add3A_36 = vector.broadcast %get3A_35 : vector<1x768xf32> to vector<256x768xf32>
    %add3A_37 = arith.addf %dot_general3A_32, %add3A_36 : vector<256x768xf32>
    %get3A_38 = arith.constant 0 : index
    %get3A_39 = arith.constant 0 : index
    %get3A_40 = vector.load %arg3[%get3A_38, %get3A_39] : memref<256x768xf32, #tpu.memory_space<vmem>>, vector<256x768xf32>
    %get3A_41 = arith.constant 0 : index
    %get3A_42 = arith.constant 0 : index
    %get3A_43 = vector.load %arg10[%get3A_41, %get3A_42] : memref<768x768xf32, #tpu.memory_space<vmem>>, vector<768x768xf32>
    %dot_general3A_44 = arith.constant dense<0.000000e+00> : vector<256x768xf32>
    %dot_general3A_45 = tpu.matmul %get3A_40, %get3A_43, %dot_general3A_44 {dimension_numbers = #tpu.dot_dimension_numbers<[1], [0], [0], [1], [0, 0, 1, 1], [], []>, transpose_lhs_hint = false} : vector<256x768xf32>, vector<768x768xf32>, vector<256x768xf32> -> vector<256x768xf32>
    %get3A_46 = arith.constant 0 : index
    %get3A_47 = arith.constant 0 : index
    %get3A_48 = vector.load %arg11[%get3A_46, %get3A_47] : memref<1x768xf32, #tpu.memory_space<vmem>>, vector<1x768xf32>
    %add3A_49 = vector.broadcast %get3A_48 : vector<1x768xf32> to vector<256x768xf32>
    %add3A_50 = arith.addf %dot_general3A_45, %add3A_49 : vector<256x768xf32>
    %convert_element_type3A = arith.truncf %add3A_37 : vector<256x768xf32> to vector<256x768xbf16>
    %swap3A_51 = arith.constant 0 : index
    %swap3A_52 = arith.constant 0 : index
    %swap3A_53 = vector.load %arg14[%swap3A_51, %swap3A_52] : memref<256x768xbf16, #tpu.memory_space<vmem>>, vector<256x768xbf16>
    tpu.vector_store %arg14[%swap3A_51, %swap3A_52], %convert_element_type3A {strides = array<i32>} : memref<256x768xbf16, #tpu.memory_space<vmem>>, vector<256x768xbf16>,
    %convert_element_type3A_54 = arith.truncf %add3A_50 : vector<256x768xf32> to vector<256x768xbf16>
    %swap3A_55 = arith.constant 0 : index
    %swap3A_56 = arith.constant 0 : index
    %swap3A_57 = vector.load %arg15[%swap3A_55, %swap3A_56] : memref<256x768xbf16, #tpu.memory_space<vmem>>, vector<256x768xbf16>
    tpu.vector_store %arg15[%swap3A_55, %swap3A_56], %convert_element_type3A_54 {strides = array<i32>} : memref<256x768xbf16, #tpu.memory_space<vmem>>, vector<256x768xbf16>,
    %slice3A = vector.extract_strided_slice %add3A_50 {offsets = [0, 0], sizes = [256, 384], strides = [1, 1]} : vector<256x768xf32> to vector<256x384xf32>
    %slice3A_58 = vector.extract_strided_slice %add3A_50 {offsets = [0, 384], sizes = [256, 384], strides = [1, 1]} : vector<256x768xf32> to vector<256x384xf32>
    %bitcast_convert_type3A = tpu.bitcast %slice3A : vector<256x384xf32> -> vector<256x384xi32>
    %bitcast_convert_type3A_59 = tpu.bitcast %slice3A_58 : vector<256x384xf32> -> vector<256x384xi32>
    %add3A_60 = arith.constant 32768 : i32
    %add3A_61 = vector.broadcast %add3A_60 : i32 to vector<256x384xi32>
    %add3A_62 = arith.addi %bitcast_convert_type3A, %add3A_61 : vector<256x384xi32>
    %and3A = arith.constant -65536 : i32
    %and3A_63 = vector.broadcast %and3A : i32 to vector<256x384xi32>
    %and3A_64 = arith.andi %add3A_62, %and3A_63 : vector<256x384xi32>
    %add3A_65 = arith.constant 32768 : i32
    %add3A_66 = vector.broadcast %add3A_65 : i32 to vector<256x384xi32>
    %add3A_67 = arith.addi %bitcast_convert_type3A_59, %add3A_66 : vector<256x384xi32>
    %shift_right_arithmetic3A = arith.constant 16 : i32
    %shift_right_arithmetic3A_68 = vector.broadcast %shift_right_arithmetic3A : i32 to vector<256x384xi32>
    %shift_right_arithmetic3A_69 = arith.shrsi %add3A_67, %shift_right_arithmetic3A_68 : vector<256x384xi32>
    %and3A_70 = arith.constant 65535 : i32
    %and3A_71 = vector.broadcast %and3A_70 : i32 to vector<256x384xi32>
    %and3A_72 = arith.andi %shift_right_arithmetic3A_69, %and3A_71 : vector<256x384xi32>
    %or3A = arith.ori %and3A_64, %and3A_72 : vector<256x384xi32>
    %swap3A_73 = arith.constant 0 : index
    %swap3A_74 = arith.constant 0 : index
    %swap3A_75 = vector.load %arg16[%swap3A_73, %swap3A_74] : memref<256x384xi32, #tpu.memory_space<vmem>>, vector<256x384xi32>
    tpu.vector_store %arg16[%swap3A_73, %swap3A_74], %or3A {strides = array<i32>} : memref<256x384xi32, #tpu.memory_space<vmem>>, vector<256x384xi32>,
    return
  }
  func.func @transform_0(%arg0: i32) -> (i32, i32) {
    %c0_i32 = arith.constant 0 : i32
    %c0_i32_0 = arith.constant 0 : i32
    return %arg0, %c0_i32 : i32, i32
  }
  func.func @transform_1(%arg0: i32) -> (i32, i32) {
    %c0_i32 = arith.constant 0 : i32
    %c0_i32_0 = arith.constant 0 : i32
    return %arg0, %c0_i32 : i32, i32
  }
  func.func @transform_2(%arg0: i32) -> (i32, i32) {
    %c0_i32 = arith.constant 0 : i32
    %c0_i32_0 = arith.constant 0 : i32
    return %arg0, %c0_i32 : i32, i32
  }
  func.func @transform_3(%arg0: i32) -> (i32, i32) {
    %c0_i32 = arith.constant 0 : i32
    %c0_i32_0 = arith.constant 0 : i32
    %c0_i32_1 = arith.constant 0 : i32
    return %c0_i32, %c0_i32_0 : i32, i32
  }
  func.func @transform_4(%arg0: i32) -> (i32, i32) {
    %c0_i32 = arith.constant 0 : i32
    %c0_i32_0 = arith.constant 0 : i32
    %c0_i32_1 = arith.constant 0 : i32
    return %c0_i32, %c0_i32_0 : i32, i32
  }
  func.func @transform_5(%arg0: i32) -> (i32, i32) {
    %c0_i32 = arith.constant 0 : i32
    %c0_i32_0 = arith.constant 0 : i32
    %c0_i32_1 = arith.constant 0 : i32
    return %c0_i32, %c0_i32_0 : i32, i32
  }
  func.func @transform_6(%arg0: i32) -> (i32, i32) {
    %c0_i32 = arith.constant 0 : i32
    %c0_i32_0 = arith.constant 0 : i32
    %c0_i32_1 = arith.constant 0 : i32
    return %c0_i32, %c0_i32_0 : i32, i32
  }
  func.func @transform_7(%arg0: i32) -> (i32, i32) {
    %c0_i32 = arith.constant 0 : i32
    %c0_i32_0 = arith.constant 0 : i32
    %c0_i32_1 = arith.constant 0 : i32
    return %c0_i32, %c0_i32_0 : i32, i32
  }
  func.func @transform_8(%arg0: i32) -> (i32, i32) {
    %c0_i32 = arith.constant 0 : i32
    %c0_i32_0 = arith.constant 0 : i32
    %c0_i32_1 = arith.constant 0 : i32
    return %c0_i32, %c0_i32_0 : i32, i32
  }
  func.func @transform_9(%arg0: i32) -> (i32, i32) {
    %c0_i32 = arith.constant 0 : i32
    %c0_i32_0 = arith.constant 0 : i32
    %c0_i32_1 = arith.constant 0 : i32
    return %c0_i32, %c0_i32_0 : i32, i32
  }
  func.func @transform_10(%arg0: i32) -> (i32, i32) {
    %c0_i32 = arith.constant 0 : i32
    %c0_i32_0 = arith.constant 0 : i32
    %c0_i32_1 = arith.constant 0 : i32
    return %c0_i32, %c0_i32_0 : i32, i32
  }
  func.func @transform_11(%arg0: i32) -> (i32, i32) {
    %c0_i32 = arith.constant 0 : i32
    %c0_i32_0 = arith.constant 0 : i32
    return %arg0, %c0_i32 : i32, i32
  }
  func.func @transform_12(%arg0: i32) -> (i32, i32) {
    %c0_i32 = arith.constant 0 : i32
    %c0_i32_0 = arith.constant 0 : i32
    return %arg0, %c0_i32 : i32, i32
  }
  func.func @transform_13(%arg0: i32) -> (i32, i32) {
    %c0_i32 = arith.constant 0 : i32
    %c0_i32_0 = arith.constant 0 : i32
    return %arg0, %c0_i32 : i32, i32
  }
  func.func @transform_14(%arg0: i32) -> (i32, i32) {
    %c0_i32 = arith.constant 0 : i32
    %c0_i32_0 = arith.constant 0 : i32
    return %arg0, %c0_i32 : i32, i32
  }
  func.func @transform_15(%arg0: i32) -> (i32, i32) {
    %c0_i32 = arith.constant 0 : i32
    %c0_i32_0 = arith.constant 0 : i32
    return %arg0, %c0_i32 : i32, i32
  }
}

module attributes {stable_mosaic.version = 14 : i64} {
  func.func @_score_body(%arg0: i32, %arg1: memref<64x768xf32, #tpu.memory_space<vmem>>, %arg2: memref<64x768xf32, #tpu.memory_space<vmem>>, %arg3: memref<2048x768xbf16, #tpu.memory_space<vmem>>, %arg4: memref<64x40xi32, #tpu.memory_space<vmem>>, %arg5: memref<64x35x768xf32, #tpu.memory_space<vmem>>, %arg6: memref<768x768xbf16, #tpu.memory_space<vmem>>, %arg7: memref<1x768xf32, #tpu.memory_space<vmem>>, %arg8: memref<768x12xf32, #tpu.memory_space<vmem>>, %arg9: memref<64x40x12xf32, #tpu.memory_space<vmem>>) attributes {dimension_semantics = [#tpu.dimension_semantics<arbitrary>], iteration_bounds = array<i64: 32>, scalar_prefetch = 0 : i64, scratch_operands = 0 : i64, tpu.core_type = #tpu.core_type<tc>, window_params = [{transform_indices = @transform_0, window_bounds = array<i64: 64, 768>}, {transform_indices = @transform_1, window_bounds = array<i64: 64, 768>}, {pipeline_mode = #tpu.pipeline_mode<synchronous>, transform_indices = @transform_2, window_bounds = array<i64: 2048, 768>}, {transform_indices = @transform_3, window_bounds = array<i64: 64, 40>}, {transform_indices = @transform_4, window_bounds = array<i64: 64, 35, 768>}, {pipeline_mode = #tpu.pipeline_mode<synchronous>, transform_indices = @transform_5, window_bounds = array<i64: 768, 768>}, {pipeline_mode = #tpu.pipeline_mode<synchronous>, transform_indices = @transform_6, window_bounds = array<i64: 1, 768>}, {pipeline_mode = #tpu.pipeline_mode<synchronous>, transform_indices = @transform_7, window_bounds = array<i64: 768, 12>}, {transform_indices = @transform_8, window_bounds = array<i64: 64, 40, 12>}]} {
    %get3A = arith.constant 0 : index
    %get3A_0 = arith.constant 0 : index
    %get3A_1 = vector.load %arg1[%get3A, %get3A_0] : memref<64x768xf32, #tpu.memory_space<vmem>>, vector<64x768xf32>
    %get3A_2 = arith.constant 0 : index
    %get3A_3 = arith.constant 0 : index
    %get3A_4 = vector.load %arg2[%get3A_2, %get3A_3] : memref<64x768xf32, #tpu.memory_space<vmem>>, vector<64x768xf32>
    %get3A_5 = arith.constant 0 : index
    %get3A_6 = arith.constant 0 : index
    %get3A_7 = vector.load %arg3[%get3A_5, %get3A_6] : memref<2048x768xbf16, #tpu.memory_space<vmem>>, vector<2048x768xbf16>
    %get3A_8 = arith.constant 0 : index
    %get3A_9 = arith.constant 0 : index
    %get3A_10 = vector.load %arg6[%get3A_8, %get3A_9] : memref<768x768xbf16, #tpu.memory_space<vmem>>, vector<768x768xbf16>
    %get3A_11 = arith.constant 0 : index
    %get3A_12 = arith.constant 0 : index
    %get3A_13 = vector.load %arg7[%get3A_11, %get3A_12] : memref<1x768xf32, #tpu.memory_space<vmem>>, vector<1x768xf32>
    %get3A_14 = arith.constant 0 : index
    %get3A_15 = arith.constant 0 : index
    %get3A_16 = vector.load %arg8[%get3A_14, %get3A_15] : memref<768x12xf32, #tpu.memory_space<vmem>>, vector<768x12xf32>
    %iota3A = tpu.iota {dimensions = array<i32: 2>} : vector<64x8x2048xi32>
    %broadcast_in_dim3A = vector.shape_cast %get3A_1 : vector<64x768xf32> to vector<64x1x768xf32>
    %broadcast_in_dim3A_17 = vector.shape_cast %broadcast_in_dim3A : vector<64x1x768xf32> to vector<64x1x768xf32>
    %broadcast_in_dim3A_18 = vector.broadcast %broadcast_in_dim3A_17 : vector<64x1x768xf32> to vector<64x8x768xf32>
    %reshape3A = vector.shape_cast %broadcast_in_dim3A_18 : vector<64x8x768xf32> to vector<512x768xf32>
    %broadcast_in_dim3A_19 = vector.shape_cast %get3A_4 : vector<64x768xf32> to vector<64x1x768xf32>
    %broadcast_in_dim3A_20 = vector.shape_cast %broadcast_in_dim3A_19 : vector<64x1x768xf32> to vector<64x1x768xf32>
    %broadcast_in_dim3A_21 = vector.broadcast %broadcast_in_dim3A_20 : vector<64x1x768xf32> to vector<64x8x768xf32>
    %reshape3A_22 = vector.shape_cast %broadcast_in_dim3A_21 : vector<64x8x768xf32> to vector<512x768xf32>
    %get3A_23 = arith.constant 0 : index
    %get3A_24 = arith.constant 0 : index
    %get3A_25 = vector.load %arg4[%get3A_23, %get3A_24] : memref<64x40xi32, #tpu.memory_space<vmem>>, vector<64x8xi32>
    %broadcast_in_dim3A_26 = vector.shape_cast %get3A_25 : vector<64x8xi32> to vector<64x8x1xi32>
    %eq3A = vector.broadcast %broadcast_in_dim3A_26 : vector<64x8x1xi32> to vector<64x8x2048xi32>
    %eq3A_27 = arith.cmpi eq, %iota3A, %eq3A : vector<64x8x2048xi32>
    %convert_element_type3A = arith.extui %eq3A_27 : vector<64x8x2048xi1> to vector<64x8x2048xi32>
    %convert_element_type3A_28 = arith.sitofp %convert_element_type3A : vector<64x8x2048xi32> to vector<64x8x2048xf32>
    %convert_element_type3A_29 = arith.truncf %convert_element_type3A_28 : vector<64x8x2048xf32> to vector<64x8x2048xbf16>
    %reshape3A_30 = vector.shape_cast %convert_element_type3A_29 : vector<64x8x2048xbf16> to vector<512x2048xbf16>
    %dot_general3A = arith.constant dense<0.000000e+00> : vector<512x768xf32>
    %dot_general3A_31 = tpu.matmul %reshape3A_30, %get3A_7, %dot_general3A {dimension_numbers = #tpu.dot_dimension_numbers<[1], [0], [0], [1], [0, 0, 1, 1], [], []>, transpose_lhs_hint = false} : vector<512x2048xbf16>, vector<2048x768xbf16>, vector<512x768xf32> -> vector<512x768xf32>
    %get3A_32 = arith.constant 0 : index
    %get3A_33 = arith.constant 0 : index
    %get3A_34 = arith.constant 0 : index
    %get3A_35 = vector.load %arg5[%get3A_32, %get3A_33, %get3A_34] : memref<64x35x768xf32, #tpu.memory_space<vmem>>, vector<64x8x768xf32>
    %reshape3A_36 = vector.shape_cast %get3A_35 : vector<64x8x768xf32> to vector<512x768xf32>
    %convert_element_type3A_37 = arith.truncf %reshape3A_36 : vector<512x768xf32> to vector<512x768xbf16>
    %dot_general3A_38 = arith.constant dense<0.000000e+00> : vector<512x768xf32>
    %dot_general3A_39 = tpu.matmul %convert_element_type3A_37, %get3A_10, %dot_general3A_38 {dimension_numbers = #tpu.dot_dimension_numbers<[1], [0], [0], [1], [0, 0, 1, 1], [], []>, transpose_lhs_hint = false} : vector<512x768xbf16>, vector<768x768xbf16>, vector<512x768xf32> -> vector<512x768xf32>
    %add3A = vector.broadcast %get3A_13 : vector<1x768xf32> to vector<512x768xf32>
    %add3A_40 = arith.addf %dot_general3A_39, %add3A : vector<512x768xf32>
    %mul3A = arith.mulf %reshape3A_22, %add3A_40 : vector<512x768xf32>
    %dot_general3A_41 = arith.constant dense<0.000000e+00> : vector<512x12xf32>
    %dot_general3A_42 = tpu.matmul %mul3A, %get3A_16, %dot_general3A_41 {dimension_numbers = #tpu.dot_dimension_numbers<[1], [0], [0], [1], [0, 0, 1, 1], [], []>, transpose_lhs_hint = false} : vector<512x768xf32>, vector<768x12xf32>, vector<512x12xf32> -> vector<512x12xf32>
    %mul3A_43 = arith.mulf %reshape3A, %dot_general3A_31 : vector<512x768xf32>
    %dot_general3A_44 = arith.constant dense<0.000000e+00> : vector<512x12xf32>
    %dot_general3A_45 = tpu.matmul %mul3A_43, %get3A_16, %dot_general3A_44 {dimension_numbers = #tpu.dot_dimension_numbers<[1], [0], [0], [1], [0, 0, 1, 1], [], []>, transpose_lhs_hint = false} : vector<512x768xf32>, vector<768x12xf32>, vector<512x12xf32> -> vector<512x12xf32>
    %add3A_46 = arith.addf %dot_general3A_45, %dot_general3A_42 : vector<512x12xf32>
    %mul3A_47 = arith.constant 1.250000e-01 : f32
    %mul3A_48 = vector.broadcast %mul3A_47 : f32 to vector<512x12xf32>
    %mul3A_49 = arith.mulf %add3A_46, %mul3A_48 : vector<512x12xf32>
    %reshape3A_50 = vector.shape_cast %mul3A_49 : vector<512x12xf32> to vector<64x8x12xf32>
    %get3A_51 = arith.constant 0 : index
    %get3A_52 = arith.constant 8 : index
    %get3A_53 = vector.load %arg4[%get3A_51, %get3A_52] : memref<64x40xi32, #tpu.memory_space<vmem>>, vector<64x8xi32>
    %broadcast_in_dim3A_54 = vector.shape_cast %get3A_53 : vector<64x8xi32> to vector<64x8x1xi32>
    %eq3A_55 = vector.broadcast %broadcast_in_dim3A_54 : vector<64x8x1xi32> to vector<64x8x2048xi32>
    %eq3A_56 = arith.cmpi eq, %iota3A, %eq3A_55 : vector<64x8x2048xi32>
    %convert_element_type3A_57 = arith.extui %eq3A_56 : vector<64x8x2048xi1> to vector<64x8x2048xi32>
    %convert_element_type3A_58 = arith.sitofp %convert_element_type3A_57 : vector<64x8x2048xi32> to vector<64x8x2048xf32>
    %convert_element_type3A_59 = arith.truncf %convert_element_type3A_58 : vector<64x8x2048xf32> to vector<64x8x2048xbf16>
    %reshape3A_60 = vector.shape_cast %convert_element_type3A_59 : vector<64x8x2048xbf16> to vector<512x2048xbf16>
    %dot_general3A_61 = arith.constant dense<0.000000e+00> : vector<512x768xf32>
    %dot_general3A_62 = tpu.matmul %reshape3A_60, %get3A_7, %dot_general3A_61 {dimension_numbers = #tpu.dot_dimension_numbers<[1], [0], [0], [1], [0, 0, 1, 1], [], []>, transpose_lhs_hint = false} : vector<512x2048xbf16>, vector<2048x768xbf16>, vector<512x768xf32> -> vector<512x768xf32>
    %get3A_63 = arith.constant 0 : index
    %get3A_64 = arith.constant 8 : index
    %get3A_65 = arith.constant 0 : index
    %get3A_66 = vector.load %arg5[%get3A_63, %get3A_64, %get3A_65] : memref<64x35x768xf32, #tpu.memory_space<vmem>>, vector<64x8x768xf32>
    %reshape3A_67 = vector.shape_cast %get3A_66 : vector<64x8x768xf32> to vector<512x768xf32>
    %convert_element_type3A_68 = arith.truncf %reshape3A_67 : vector<512x768xf32> to vector<512x768xbf16>
    %dot_general3A_69 = arith.constant dense<0.000000e+00> : vector<512x768xf32>
    %dot_general3A_70 = tpu.matmul %convert_element_type3A_68, %get3A_10, %dot_general3A_69 {dimension_numbers = #tpu.dot_dimension_numbers<[1], [0], [0], [1], [0, 0, 1, 1], [], []>, transpose_lhs_hint = false} : vector<512x768xbf16>, vector<768x768xbf16>, vector<512x768xf32> -> vector<512x768xf32>
    %add3A_71 = vector.broadcast %get3A_13 : vector<1x768xf32> to vector<512x768xf32>
    %add3A_72 = arith.addf %dot_general3A_70, %add3A_71 : vector<512x768xf32>
    %mul3A_73 = arith.mulf %reshape3A_22, %add3A_72 : vector<512x768xf32>
    %dot_general3A_74 = arith.constant dense<0.000000e+00> : vector<512x12xf32>
    %dot_general3A_75 = tpu.matmul %mul3A_73, %get3A_16, %dot_general3A_74 {dimension_numbers = #tpu.dot_dimension_numbers<[1], [0], [0], [1], [0, 0, 1, 1], [], []>, transpose_lhs_hint = false} : vector<512x768xf32>, vector<768x12xf32>, vector<512x12xf32> -> vector<512x12xf32>
    %mul3A_76 = arith.mulf %reshape3A, %dot_general3A_62 : vector<512x768xf32>
    %dot_general3A_77 = arith.constant dense<0.000000e+00> : vector<512x12xf32>
    %dot_general3A_78 = tpu.matmul %mul3A_76, %get3A_16, %dot_general3A_77 {dimension_numbers = #tpu.dot_dimension_numbers<[1], [0], [0], [1], [0, 0, 1, 1], [], []>, transpose_lhs_hint = false} : vector<512x768xf32>, vector<768x12xf32>, vector<512x12xf32> -> vector<512x12xf32>
    %add3A_79 = arith.addf %dot_general3A_78, %dot_general3A_75 : vector<512x12xf32>
    %mul3A_80 = arith.constant 1.250000e-01 : f32
    %mul3A_81 = vector.broadcast %mul3A_80 : f32 to vector<512x12xf32>
    %mul3A_82 = arith.mulf %add3A_79, %mul3A_81 : vector<512x12xf32>
    %reshape3A_83 = vector.shape_cast %mul3A_82 : vector<512x12xf32> to vector<64x8x12xf32>
    %get3A_84 = arith.constant 0 : index
    %get3A_85 = arith.constant 16 : index
    %get3A_86 = vector.load %arg4[%get3A_84, %get3A_85] : memref<64x40xi32, #tpu.memory_space<vmem>>, vector<64x8xi32>
    %broadcast_in_dim3A_87 = vector.shape_cast %get3A_86 : vector<64x8xi32> to vector<64x8x1xi32>
    %eq3A_88 = vector.broadcast %broadcast_in_dim3A_87 : vector<64x8x1xi32> to vector<64x8x2048xi32>
    %eq3A_89 = arith.cmpi eq, %iota3A, %eq3A_88 : vector<64x8x2048xi32>
    %convert_element_type3A_90 = arith.extui %eq3A_89 : vector<64x8x2048xi1> to vector<64x8x2048xi32>
    %convert_element_type3A_91 = arith.sitofp %convert_element_type3A_90 : vector<64x8x2048xi32> to vector<64x8x2048xf32>
    %convert_element_type3A_92 = arith.truncf %convert_element_type3A_91 : vector<64x8x2048xf32> to vector<64x8x2048xbf16>
    %reshape3A_93 = vector.shape_cast %convert_element_type3A_92 : vector<64x8x2048xbf16> to vector<512x2048xbf16>
    %dot_general3A_94 = arith.constant dense<0.000000e+00> : vector<512x768xf32>
    %dot_general3A_95 = tpu.matmul %reshape3A_93, %get3A_7, %dot_general3A_94 {dimension_numbers = #tpu.dot_dimension_numbers<[1], [0], [0], [1], [0, 0, 1, 1], [], []>, transpose_lhs_hint = false} : vector<512x2048xbf16>, vector<2048x768xbf16>, vector<512x768xf32> -> vector<512x768xf32>
    %get3A_96 = arith.constant 0 : index
    %get3A_97 = arith.constant 16 : index
    %get3A_98 = arith.constant 0 : index
    %get3A_99 = vector.load %arg5[%get3A_96, %get3A_97, %get3A_98] : memref<64x35x768xf32, #tpu.memory_space<vmem>>, vector<64x8x768xf32>
    %reshape3A_100 = vector.shape_cast %get3A_99 : vector<64x8x768xf32> to vector<512x768xf32>
    %convert_element_type3A_101 = arith.truncf %reshape3A_100 : vector<512x768xf32> to vector<512x768xbf16>
    %dot_general3A_102 = arith.constant dense<0.000000e+00> : vector<512x768xf32>
    %dot_general3A_103 = tpu.matmul %convert_element_type3A_101, %get3A_10, %dot_general3A_102 {dimension_numbers = #tpu.dot_dimension_numbers<[1], [0], [0], [1], [0, 0, 1, 1], [], []>, transpose_lhs_hint = false} : vector<512x768xbf16>, vector<768x768xbf16>, vector<512x768xf32> -> vector<512x768xf32>
    %add3A_104 = vector.broadcast %get3A_13 : vector<1x768xf32> to vector<512x768xf32>
    %add3A_105 = arith.addf %dot_general3A_103, %add3A_104 : vector<512x768xf32>
    %mul3A_106 = arith.mulf %reshape3A_22, %add3A_105 : vector<512x768xf32>
    %dot_general3A_107 = arith.constant dense<0.000000e+00> : vector<512x12xf32>
    %dot_general3A_108 = tpu.matmul %mul3A_106, %get3A_16, %dot_general3A_107 {dimension_numbers = #tpu.dot_dimension_numbers<[1], [0], [0], [1], [0, 0, 1, 1], [], []>, transpose_lhs_hint = false} : vector<512x768xf32>, vector<768x12xf32>, vector<512x12xf32> -> vector<512x12xf32>
    %mul3A_109 = arith.mulf %reshape3A, %dot_general3A_95 : vector<512x768xf32>
    %dot_general3A_110 = arith.constant dense<0.000000e+00> : vector<512x12xf32>
    %dot_general3A_111 = tpu.matmul %mul3A_109, %get3A_16, %dot_general3A_110 {dimension_numbers = #tpu.dot_dimension_numbers<[1], [0], [0], [1], [0, 0, 1, 1], [], []>, transpose_lhs_hint = false} : vector<512x768xf32>, vector<768x12xf32>, vector<512x12xf32> -> vector<512x12xf32>
    %add3A_112 = arith.addf %dot_general3A_111, %dot_general3A_108 : vector<512x12xf32>
    %mul3A_113 = arith.constant 1.250000e-01 : f32
    %mul3A_114 = vector.broadcast %mul3A_113 : f32 to vector<512x12xf32>
    %mul3A_115 = arith.mulf %add3A_112, %mul3A_114 : vector<512x12xf32>
    %reshape3A_116 = vector.shape_cast %mul3A_115 : vector<512x12xf32> to vector<64x8x12xf32>
    %get3A_117 = arith.constant 0 : index
    %get3A_118 = arith.constant 24 : index
    %get3A_119 = vector.load %arg4[%get3A_117, %get3A_118] : memref<64x40xi32, #tpu.memory_space<vmem>>, vector<64x8xi32>
    %broadcast_in_dim3A_120 = vector.shape_cast %get3A_119 : vector<64x8xi32> to vector<64x8x1xi32>
    %eq3A_121 = vector.broadcast %broadcast_in_dim3A_120 : vector<64x8x1xi32> to vector<64x8x2048xi32>
    %eq3A_122 = arith.cmpi eq, %iota3A, %eq3A_121 : vector<64x8x2048xi32>
    %convert_element_type3A_123 = arith.extui %eq3A_122 : vector<64x8x2048xi1> to vector<64x8x2048xi32>
    %convert_element_type3A_124 = arith.sitofp %convert_element_type3A_123 : vector<64x8x2048xi32> to vector<64x8x2048xf32>
    %convert_element_type3A_125 = arith.truncf %convert_element_type3A_124 : vector<64x8x2048xf32> to vector<64x8x2048xbf16>
    %reshape3A_126 = vector.shape_cast %convert_element_type3A_125 : vector<64x8x2048xbf16> to vector<512x2048xbf16>
    %dot_general3A_127 = arith.constant dense<0.000000e+00> : vector<512x768xf32>
    %dot_general3A_128 = tpu.matmul %reshape3A_126, %get3A_7, %dot_general3A_127 {dimension_numbers = #tpu.dot_dimension_numbers<[1], [0], [0], [1], [0, 0, 1, 1], [], []>, transpose_lhs_hint = false} : vector<512x2048xbf16>, vector<2048x768xbf16>, vector<512x768xf32> -> vector<512x768xf32>
    %get3A_129 = arith.constant 0 : index
    %get3A_130 = arith.constant 24 : index
    %get3A_131 = arith.constant 0 : index
    %get3A_132 = vector.load %arg5[%get3A_129, %get3A_130, %get3A_131] : memref<64x35x768xf32, #tpu.memory_space<vmem>>, vector<64x8x768xf32>
    %reshape3A_133 = vector.shape_cast %get3A_132 : vector<64x8x768xf32> to vector<512x768xf32>
    %convert_element_type3A_134 = arith.truncf %reshape3A_133 : vector<512x768xf32> to vector<512x768xbf16>
    %dot_general3A_135 = arith.constant dense<0.000000e+00> : vector<512x768xf32>
    %dot_general3A_136 = tpu.matmul %convert_element_type3A_134, %get3A_10, %dot_general3A_135 {dimension_numbers = #tpu.dot_dimension_numbers<[1], [0], [0], [1], [0, 0, 1, 1], [], []>, transpose_lhs_hint = false} : vector<512x768xbf16>, vector<768x768xbf16>, vector<512x768xf32> -> vector<512x768xf32>
    %add3A_137 = vector.broadcast %get3A_13 : vector<1x768xf32> to vector<512x768xf32>
    %add3A_138 = arith.addf %dot_general3A_136, %add3A_137 : vector<512x768xf32>
    %mul3A_139 = arith.mulf %reshape3A_22, %add3A_138 : vector<512x768xf32>
    %dot_general3A_140 = arith.constant dense<0.000000e+00> : vector<512x12xf32>
    %dot_general3A_141 = tpu.matmul %mul3A_139, %get3A_16, %dot_general3A_140 {dimension_numbers = #tpu.dot_dimension_numbers<[1], [0], [0], [1], [0, 0, 1, 1], [], []>, transpose_lhs_hint = false} : vector<512x768xf32>, vector<768x12xf32>, vector<512x12xf32> -> vector<512x12xf32>
    %mul3A_142 = arith.mulf %reshape3A, %dot_general3A_128 : vector<512x768xf32>
    %dot_general3A_143 = arith.constant dense<0.000000e+00> : vector<512x12xf32>
    %dot_general3A_144 = tpu.matmul %mul3A_142, %get3A_16, %dot_general3A_143 {dimension_numbers = #tpu.dot_dimension_numbers<[1], [0], [0], [1], [0, 0, 1, 1], [], []>, transpose_lhs_hint = false} : vector<512x768xf32>, vector<768x12xf32>, vector<512x12xf32> -> vector<512x12xf32>
    %add3A_145 = arith.addf %dot_general3A_144, %dot_general3A_141 : vector<512x12xf32>
    %mul3A_146 = arith.constant 1.250000e-01 : f32
    %mul3A_147 = vector.broadcast %mul3A_146 : f32 to vector<512x12xf32>
    %mul3A_148 = arith.mulf %add3A_145, %mul3A_147 : vector<512x12xf32>
    %reshape3A_149 = vector.shape_cast %mul3A_148 : vector<512x12xf32> to vector<64x8x12xf32>
    %get3A_150 = arith.constant 0 : index
    %get3A_151 = arith.constant 32 : index
    %get3A_152 = vector.load %arg4[%get3A_150, %get3A_151] : memref<64x40xi32, #tpu.memory_space<vmem>>, vector<64x8xi32>
    %broadcast_in_dim3A_153 = vector.shape_cast %get3A_152 : vector<64x8xi32> to vector<64x8x1xi32>
    %eq3A_154 = vector.broadcast %broadcast_in_dim3A_153 : vector<64x8x1xi32> to vector<64x8x2048xi32>
    %eq3A_155 = arith.cmpi eq, %iota3A, %eq3A_154 : vector<64x8x2048xi32>
    %convert_element_type3A_156 = arith.extui %eq3A_155 : vector<64x8x2048xi1> to vector<64x8x2048xi32>
    %convert_element_type3A_157 = arith.sitofp %convert_element_type3A_156 : vector<64x8x2048xi32> to vector<64x8x2048xf32>
    %convert_element_type3A_158 = arith.truncf %convert_element_type3A_157 : vector<64x8x2048xf32> to vector<64x8x2048xbf16>
    %reshape3A_159 = vector.shape_cast %convert_element_type3A_158 : vector<64x8x2048xbf16> to vector<512x2048xbf16>
    %dot_general3A_160 = arith.constant dense<0.000000e+00> : vector<512x768xf32>
    %dot_general3A_161 = tpu.matmul %reshape3A_159, %get3A_7, %dot_general3A_160 {dimension_numbers = #tpu.dot_dimension_numbers<[1], [0], [0], [1], [0, 0, 1, 1], [], []>, transpose_lhs_hint = false} : vector<512x2048xbf16>, vector<2048x768xbf16>, vector<512x768xf32> -> vector<512x768xf32>
    %get3A_162 = arith.constant 0 : index
    %get3A_163 = arith.constant 32 : index
    %get3A_164 = arith.constant 0 : index
    %get3A_165 = vector.load %arg5[%get3A_162, %get3A_163, %get3A_164] : memref<64x35x768xf32, #tpu.memory_space<vmem>>, vector<64x3x768xf32>
    %broadcast_in_dim3A_166 = arith.constant 0.000000e+00 : f32
    %broadcast_in_dim3A_167 = vector.broadcast %broadcast_in_dim3A_166 : f32 to vector<64x5x768xf32>
    %concatenate3A = tpu.concatenate %get3A_165, %broadcast_in_dim3A_167 in 1 : vector<64x3x768xf32>, vector<64x5x768xf32> -> vector<64x8x768xf32>
    %reshape3A_168 = vector.shape_cast %concatenate3A : vector<64x8x768xf32> to vector<512x768xf32>
    %convert_element_type3A_169 = arith.truncf %reshape3A_168 : vector<512x768xf32> to vector<512x768xbf16>
    %dot_general3A_170 = arith.constant dense<0.000000e+00> : vector<512x768xf32>
    %dot_general3A_171 = tpu.matmul %convert_element_type3A_169, %get3A_10, %dot_general3A_170 {dimension_numbers = #tpu.dot_dimension_numbers<[1], [0], [0], [1], [0, 0, 1, 1], [], []>, transpose_lhs_hint = false} : vector<512x768xbf16>, vector<768x768xbf16>, vector<512x768xf32> -> vector<512x768xf32>
    %add3A_172 = vector.broadcast %get3A_13 : vector<1x768xf32> to vector<512x768xf32>
    %add3A_173 = arith.addf %dot_general3A_171, %add3A_172 : vector<512x768xf32>
    %mul3A_174 = arith.mulf %reshape3A_22, %add3A_173 : vector<512x768xf32>
    %dot_general3A_175 = arith.constant dense<0.000000e+00> : vector<512x12xf32>
    %dot_general3A_176 = tpu.matmul %mul3A_174, %get3A_16, %dot_general3A_175 {dimension_numbers = #tpu.dot_dimension_numbers<[1], [0], [0], [1], [0, 0, 1, 1], [], []>, transpose_lhs_hint = false} : vector<512x768xf32>, vector<768x12xf32>, vector<512x12xf32> -> vector<512x12xf32>
    %mul3A_177 = arith.mulf %reshape3A, %dot_general3A_161 : vector<512x768xf32>
    %dot_general3A_178 = arith.constant dense<0.000000e+00> : vector<512x12xf32>
    %dot_general3A_179 = tpu.matmul %mul3A_177, %get3A_16, %dot_general3A_178 {dimension_numbers = #tpu.dot_dimension_numbers<[1], [0], [0], [1], [0, 0, 1, 1], [], []>, transpose_lhs_hint = false} : vector<512x768xf32>, vector<768x12xf32>, vector<512x12xf32> -> vector<512x12xf32>
    %add3A_180 = arith.addf %dot_general3A_179, %dot_general3A_176 : vector<512x12xf32>
    %mul3A_181 = arith.constant 1.250000e-01 : f32
    %mul3A_182 = vector.broadcast %mul3A_181 : f32 to vector<512x12xf32>
    %mul3A_183 = arith.mulf %add3A_180, %mul3A_182 : vector<512x12xf32>
    %reshape3A_184 = vector.shape_cast %mul3A_183 : vector<512x12xf32> to vector<64x8x12xf32>
    %concatenate3A_185 = tpu.concatenate %reshape3A_50, %reshape3A_83, %reshape3A_116, %reshape3A_149, %reshape3A_184 in 1 : vector<64x8x12xf32>, vector<64x8x12xf32>, vector<64x8x12xf32>, vector<64x8x12xf32>, vector<64x8x12xf32> -> vector<64x40x12xf32>
    %iota3A_186 = tpu.iota {dimensions = array<i32: 1>} : vector<64x40x12xi32>
    %lt3A = arith.constant 35 : i32
    %lt3A_187 = vector.broadcast %lt3A : i32 to vector<64x40x12xi32>
    %lt3A_188 = arith.cmpi slt, %iota3A_186, %lt3A_187 : vector<64x40x12xi32>
    %jit3A = arith.constant -1.000000e+30 : f32
    %broadcast_in_dim3A_189 = vector.broadcast %jit3A : f32 to vector<64x40x12xf32>
    %select_n3A = arith.select %lt3A_188, %concatenate3A_185, %broadcast_in_dim3A_189 : vector<64x40x12xi1>, vector<64x40x12xf32>
    %reduce_max3A = arith.constant dense<0xFF800000> : vector<64x12xf32>
    %reduce_max3A_190 = vector.multi_reduction <maximumf>, %select_n3A, %reduce_max3A [1] : vector<64x40x12xf32> to vector<64x12xf32>
    %broadcast_in_dim3A_191 = vector.shape_cast %reduce_max3A_190 : vector<64x12xf32> to vector<64x1x12xf32>
    %sub3A = vector.broadcast %broadcast_in_dim3A_191 : vector<64x1x12xf32> to vector<64x40x12xf32>
    %sub3A_192 = arith.subf %select_n3A, %sub3A : vector<64x40x12xf32>
    %exp3A = math.exp %sub3A_192 : vector<64x40x12xf32>
    %reduce_sum3A = arith.constant dense<0.000000e+00> : vector<64x12xf32>
    %reduce_sum3A_193 = vector.multi_reduction <add>, %exp3A, %reduce_sum3A [1] : vector<64x40x12xf32> to vector<64x12xf32>
    %broadcast_in_dim3A_194 = vector.shape_cast %reduce_sum3A_193 : vector<64x12xf32> to vector<64x1x12xf32>
    %div3A = vector.broadcast %broadcast_in_dim3A_194 : vector<64x1x12xf32> to vector<64x40x12xf32>
    %div3A_195 = arith.divf %exp3A, %div3A : vector<64x40x12xf32>
    %swap3A = arith.constant 0 : index
    %swap3A_196 = arith.constant 0 : index
    %swap3A_197 = arith.constant 0 : index
    %swap3A_198 = vector.load %arg9[%swap3A, %swap3A_196, %swap3A_197] : memref<64x40x12xf32, #tpu.memory_space<vmem>>, vector<64x40x12xf32>
    tpu.vector_store %arg9[%swap3A, %swap3A_196, %swap3A_197], %div3A_195 {strides = array<i32>} : memref<64x40x12xf32, #tpu.memory_space<vmem>>, vector<64x40x12xf32>,
    return
  }
  func.func @transform_0(%arg0: i32) -> (i32, i32) {
    %c0_i32 = arith.constant 0 : i32
    %c0_i32_0 = arith.constant 0 : i32
    return %arg0, %c0_i32 : i32, i32
  }
  func.func @transform_1(%arg0: i32) -> (i32, i32) {
    %c0_i32 = arith.constant 0 : i32
    %c0_i32_0 = arith.constant 0 : i32
    return %arg0, %c0_i32 : i32, i32
  }
  func.func @transform_2(%arg0: i32) -> (i32, i32) {
    %c0_i32 = arith.constant 0 : i32
    %c0_i32_0 = arith.constant 0 : i32
    %c0_i32_1 = arith.constant 0 : i32
    return %c0_i32, %c0_i32_0 : i32, i32
  }
  func.func @transform_3(%arg0: i32) -> (i32, i32) {
    %c0_i32 = arith.constant 0 : i32
    %c0_i32_0 = arith.constant 0 : i32
    return %arg0, %c0_i32 : i32, i32
  }
  func.func @transform_4(%arg0: i32) -> (i32, i32, i32) {
    %c0_i32 = arith.constant 0 : i32
    %c0_i32_0 = arith.constant 0 : i32
    %c0_i32_1 = arith.constant 0 : i32
    return %arg0, %c0_i32, %c0_i32_0 : i32, i32, i32
  }
  func.func @transform_5(%arg0: i32) -> (i32, i32) {
    %c0_i32 = arith.constant 0 : i32
    %c0_i32_0 = arith.constant 0 : i32
    %c0_i32_1 = arith.constant 0 : i32
    return %c0_i32, %c0_i32_0 : i32, i32
  }
  func.func @transform_6(%arg0: i32) -> (i32, i32) {
    %c0_i32 = arith.constant 0 : i32
    %c0_i32_0 = arith.constant 0 : i32
    %c0_i32_1 = arith.constant 0 : i32
    return %c0_i32, %c0_i32_0 : i32, i32
  }
  func.func @transform_7(%arg0: i32) -> (i32, i32) {
    %c0_i32 = arith.constant 0 : i32
    %c0_i32_0 = arith.constant 0 : i32
    %c0_i32_1 = arith.constant 0 : i32
    return %c0_i32, %c0_i32_0 : i32, i32
  }
  func.func @transform_8(%arg0: i32) -> (i32, i32, i32) {
    %c0_i32 = arith.constant 0 : i32
    %c0_i32_0 = arith.constant 0 : i32
    %c0_i32_1 = arith.constant 0 : i32
    return %arg0, %c0_i32, %c0_i32_0 : i32, i32, i32
  }
}

module attributes {stable_mosaic.version = 14 : i64} {
  func.func @_final_tc_body(%arg0: i32, %arg1: memref<2048x768xbf16, #tpu.memory_space<vmem>>, %arg2: memref<64x40xi32, #tpu.memory_space<vmem>>, %arg3: memref<64x40x12xf32, #tpu.memory_space<vmem>>, %arg4: memref<12x768xf32, #tpu.memory_space<vmem>>, %arg5: memref<64x768xf32, #tpu.memory_space<vmem>>, %arg6: memref<64x35x12xf32, #tpu.memory_space<vmem>>) attributes {dimension_semantics = [#tpu.dimension_semantics<arbitrary>], iteration_bounds = array<i64: 12>, scalar_prefetch = 0 : i64, scratch_operands = 0 : i64, tpu.core_type = #tpu.core_type<tc>, window_params = [{pipeline_mode = #tpu.pipeline_mode<synchronous>, transform_indices = @transform_0, window_bounds = array<i64: 2048, 768>}, {transform_indices = @transform_1, window_bounds = array<i64: 64, 40>}, {transform_indices = @transform_2, window_bounds = array<i64: 64, 40, 12>}, {pipeline_mode = #tpu.pipeline_mode<synchronous>, transform_indices = @transform_3, window_bounds = array<i64: 12, 768>}, {transform_indices = @transform_4, window_bounds = array<i64: 64, 768>}, {transform_indices = @transform_5, window_bounds = array<i64: 64, 35, 12>}]} {
    %get3A = arith.constant 0 : index
    %get3A_0 = arith.constant 0 : index
    %get3A_1 = arith.constant 0 : index
    %get3A_2 = vector.load %arg3[%get3A, %get3A_0, %get3A_1] : memref<64x40x12xf32, #tpu.memory_space<vmem>>, vector<64x40x12xf32>
    %slice3A = vector.extract_strided_slice %get3A_2 {offsets = [0, 0, 0], sizes = [64, 35, 12], strides = [1, 1, 1]} : vector<64x40x12xf32> to vector<64x35x12xf32>
    %swap3A = arith.constant 0 : index
    %swap3A_3 = arith.constant 0 : index
    %swap3A_4 = arith.constant 0 : index
    %swap3A_5 = vector.load %arg6[%swap3A, %swap3A_3, %swap3A_4] : memref<64x35x12xf32, #tpu.memory_space<vmem>>, vector<64x35x12xf32>
    tpu.vector_store %arg6[%swap3A, %swap3A_3, %swap3A_4], %slice3A {strides = array<i32>} : memref<64x35x12xf32, #tpu.memory_space<vmem>>, vector<64x35x12xf32>,
    %get3A_6 = arith.constant 0 : index
    %get3A_7 = arith.constant 0 : index
    %get3A_8 = vector.load %arg1[%get3A_6, %get3A_7] : memref<2048x768xbf16, #tpu.memory_space<vmem>>, vector<2048x768xbf16>
    %get3A_9 = arith.constant 0 : index
    %get3A_10 = arith.constant 0 : index
    %get3A_11 = vector.load %arg4[%get3A_9, %get3A_10] : memref<12x768xf32, #tpu.memory_space<vmem>>, vector<12x768xf32>
    %iota3A = tpu.iota {dimensions = array<i32: 2>} : vector<64x8x2048xi32>
    %broadcast_in_dim3A = arith.constant 0.000000e+00 : f32
    %broadcast_in_dim3A_12 = vector.broadcast %broadcast_in_dim3A : f32 to vector<64x768xf32>
    %get3A_13 = arith.constant 0 : index
    %get3A_14 = arith.constant 0 : index
    %get3A_15 = vector.load %arg2[%get3A_13, %get3A_14] : memref<64x40xi32, #tpu.memory_space<vmem>>, vector<64x8xi32>
    %broadcast_in_dim3A_16 = vector.shape_cast %get3A_15 : vector<64x8xi32> to vector<64x8x1xi32>
    %eq3A = vector.broadcast %broadcast_in_dim3A_16 : vector<64x8x1xi32> to vector<64x8x2048xi32>
    %eq3A_17 = arith.cmpi eq, %iota3A, %eq3A : vector<64x8x2048xi32>
    %convert_element_type3A = arith.extui %eq3A_17 : vector<64x8x2048xi1> to vector<64x8x2048xi32>
    %convert_element_type3A_18 = arith.sitofp %convert_element_type3A : vector<64x8x2048xi32> to vector<64x8x2048xf32>
    %convert_element_type3A_19 = arith.truncf %convert_element_type3A_18 : vector<64x8x2048xf32> to vector<64x8x2048xbf16>
    %reshape3A = vector.shape_cast %convert_element_type3A_19 : vector<64x8x2048xbf16> to vector<512x2048xbf16>
    %dot_general3A = arith.constant dense<0.000000e+00> : vector<512x768xf32>
    %dot_general3A_20 = tpu.matmul %reshape3A, %get3A_8, %dot_general3A {dimension_numbers = #tpu.dot_dimension_numbers<[1], [0], [0], [1], [0, 0, 1, 1], [], []>, transpose_lhs_hint = false} : vector<512x2048xbf16>, vector<2048x768xbf16>, vector<512x768xf32> -> vector<512x768xf32>
    %slice3A_21 = vector.extract_strided_slice %get3A_2 {offsets = [0, 0, 0], sizes = [64, 8, 12], strides = [1, 1, 1]} : vector<64x40x12xf32> to vector<64x8x12xf32>
    %reshape3A_22 = vector.shape_cast %slice3A_21 : vector<64x8x12xf32> to vector<512x12xf32>
    %dot_general3A_23 = arith.constant dense<0.000000e+00> : vector<512x768xf32>
    %dot_general3A_24 = tpu.matmul %reshape3A_22, %get3A_11, %dot_general3A_23 {dimension_numbers = #tpu.dot_dimension_numbers<[1], [0], [0], [1], [0, 0, 1, 1], [], []>, transpose_lhs_hint = false} : vector<512x12xf32>, vector<12x768xf32>, vector<512x768xf32> -> vector<512x768xf32>
    %mul3A = arith.mulf %dot_general3A_24, %dot_general3A_20 : vector<512x768xf32>
    %reshape3A_25 = vector.shape_cast %mul3A : vector<512x768xf32> to vector<64x8x768xf32>
    %reduce_sum3A = arith.constant dense<0.000000e+00> : vector<64x768xf32>
    %reduce_sum3A_26 = vector.multi_reduction <add>, %reshape3A_25, %reduce_sum3A [1] : vector<64x8x768xf32> to vector<64x768xf32>
    %add3A = arith.addf %broadcast_in_dim3A_12, %reduce_sum3A_26 : vector<64x768xf32>
    %get3A_27 = arith.constant 0 : index
    %get3A_28 = arith.constant 8 : index
    %get3A_29 = vector.load %arg2[%get3A_27, %get3A_28] : memref<64x40xi32, #tpu.memory_space<vmem>>, vector<64x8xi32>
    %broadcast_in_dim3A_30 = vector.shape_cast %get3A_29 : vector<64x8xi32> to vector<64x8x1xi32>
    %eq3A_31 = vector.broadcast %broadcast_in_dim3A_30 : vector<64x8x1xi32> to vector<64x8x2048xi32>
    %eq3A_32 = arith.cmpi eq, %iota3A, %eq3A_31 : vector<64x8x2048xi32>
    %convert_element_type3A_33 = arith.extui %eq3A_32 : vector<64x8x2048xi1> to vector<64x8x2048xi32>
    %convert_element_type3A_34 = arith.sitofp %convert_element_type3A_33 : vector<64x8x2048xi32> to vector<64x8x2048xf32>
    %convert_element_type3A_35 = arith.truncf %convert_element_type3A_34 : vector<64x8x2048xf32> to vector<64x8x2048xbf16>
    %reshape3A_36 = vector.shape_cast %convert_element_type3A_35 : vector<64x8x2048xbf16> to vector<512x2048xbf16>
    %dot_general3A_37 = arith.constant dense<0.000000e+00> : vector<512x768xf32>
    %dot_general3A_38 = tpu.matmul %reshape3A_36, %get3A_8, %dot_general3A_37 {dimension_numbers = #tpu.dot_dimension_numbers<[1], [0], [0], [1], [0, 0, 1, 1], [], []>, transpose_lhs_hint = false} : vector<512x2048xbf16>, vector<2048x768xbf16>, vector<512x768xf32> -> vector<512x768xf32>
    %slice3A_39 = vector.extract_strided_slice %get3A_2 {offsets = [0, 8, 0], sizes = [64, 8, 12], strides = [1, 1, 1]} : vector<64x40x12xf32> to vector<64x8x12xf32>
    %reshape3A_40 = vector.shape_cast %slice3A_39 : vector<64x8x12xf32> to vector<512x12xf32>
    %dot_general3A_41 = arith.constant dense<0.000000e+00> : vector<512x768xf32>
    %dot_general3A_42 = tpu.matmul %reshape3A_40, %get3A_11, %dot_general3A_41 {dimension_numbers = #tpu.dot_dimension_numbers<[1], [0], [0], [1], [0, 0, 1, 1], [], []>, transpose_lhs_hint = false} : vector<512x12xf32>, vector<12x768xf32>, vector<512x768xf32> -> vector<512x768xf32>
    %mul3A_43 = arith.mulf %dot_general3A_42, %dot_general3A_38 : vector<512x768xf32>
    %reshape3A_44 = vector.shape_cast %mul3A_43 : vector<512x768xf32> to vector<64x8x768xf32>
    %reduce_sum3A_45 = arith.constant dense<0.000000e+00> : vector<64x768xf32>
    %reduce_sum3A_46 = vector.multi_reduction <add>, %reshape3A_44, %reduce_sum3A_45 [1] : vector<64x8x768xf32> to vector<64x768xf32>
    %add3A_47 = arith.addf %add3A, %reduce_sum3A_46 : vector<64x768xf32>
    %get3A_48 = arith.constant 0 : index
    %get3A_49 = arith.constant 16 : index
    %get3A_50 = vector.load %arg2[%get3A_48, %get3A_49] : memref<64x40xi32, #tpu.memory_space<vmem>>, vector<64x8xi32>
    %broadcast_in_dim3A_51 = vector.shape_cast %get3A_50 : vector<64x8xi32> to vector<64x8x1xi32>
    %eq3A_52 = vector.broadcast %broadcast_in_dim3A_51 : vector<64x8x1xi32> to vector<64x8x2048xi32>
    %eq3A_53 = arith.cmpi eq, %iota3A, %eq3A_52 : vector<64x8x2048xi32>
    %convert_element_type3A_54 = arith.extui %eq3A_53 : vector<64x8x2048xi1> to vector<64x8x2048xi32>
    %convert_element_type3A_55 = arith.sitofp %convert_element_type3A_54 : vector<64x8x2048xi32> to vector<64x8x2048xf32>
    %convert_element_type3A_56 = arith.truncf %convert_element_type3A_55 : vector<64x8x2048xf32> to vector<64x8x2048xbf16>
    %reshape3A_57 = vector.shape_cast %convert_element_type3A_56 : vector<64x8x2048xbf16> to vector<512x2048xbf16>
    %dot_general3A_58 = arith.constant dense<0.000000e+00> : vector<512x768xf32>
    %dot_general3A_59 = tpu.matmul %reshape3A_57, %get3A_8, %dot_general3A_58 {dimension_numbers = #tpu.dot_dimension_numbers<[1], [0], [0], [1], [0, 0, 1, 1], [], []>, transpose_lhs_hint = false} : vector<512x2048xbf16>, vector<2048x768xbf16>, vector<512x768xf32> -> vector<512x768xf32>
    %slice3A_60 = vector.extract_strided_slice %get3A_2 {offsets = [0, 16, 0], sizes = [64, 8, 12], strides = [1, 1, 1]} : vector<64x40x12xf32> to vector<64x8x12xf32>
    %reshape3A_61 = vector.shape_cast %slice3A_60 : vector<64x8x12xf32> to vector<512x12xf32>
    %dot_general3A_62 = arith.constant dense<0.000000e+00> : vector<512x768xf32>
    %dot_general3A_63 = tpu.matmul %reshape3A_61, %get3A_11, %dot_general3A_62 {dimension_numbers = #tpu.dot_dimension_numbers<[1], [0], [0], [1], [0, 0, 1, 1], [], []>, transpose_lhs_hint = false} : vector<512x12xf32>, vector<12x768xf32>, vector<512x768xf32> -> vector<512x768xf32>
    %mul3A_64 = arith.mulf %dot_general3A_63, %dot_general3A_59 : vector<512x768xf32>
    %reshape3A_65 = vector.shape_cast %mul3A_64 : vector<512x768xf32> to vector<64x8x768xf32>
    %reduce_sum3A_66 = arith.constant dense<0.000000e+00> : vector<64x768xf32>
    %reduce_sum3A_67 = vector.multi_reduction <add>, %reshape3A_65, %reduce_sum3A_66 [1] : vector<64x8x768xf32> to vector<64x768xf32>
    %add3A_68 = arith.addf %add3A_47, %reduce_sum3A_67 : vector<64x768xf32>
    %get3A_69 = arith.constant 0 : index
    %get3A_70 = arith.constant 24 : index
    %get3A_71 = vector.load %arg2[%get3A_69, %get3A_70] : memref<64x40xi32, #tpu.memory_space<vmem>>, vector<64x8xi32>
    %broadcast_in_dim3A_72 = vector.shape_cast %get3A_71 : vector<64x8xi32> to vector<64x8x1xi32>
    %eq3A_73 = vector.broadcast %broadcast_in_dim3A_72 : vector<64x8x1xi32> to vector<64x8x2048xi32>
    %eq3A_74 = arith.cmpi eq, %iota3A, %eq3A_73 : vector<64x8x2048xi32>
    %convert_element_type3A_75 = arith.extui %eq3A_74 : vector<64x8x2048xi1> to vector<64x8x2048xi32>
    %convert_element_type3A_76 = arith.sitofp %convert_element_type3A_75 : vector<64x8x2048xi32> to vector<64x8x2048xf32>
    %convert_element_type3A_77 = arith.truncf %convert_element_type3A_76 : vector<64x8x2048xf32> to vector<64x8x2048xbf16>
    %reshape3A_78 = vector.shape_cast %convert_element_type3A_77 : vector<64x8x2048xbf16> to vector<512x2048xbf16>
    %dot_general3A_79 = arith.constant dense<0.000000e+00> : vector<512x768xf32>
    %dot_general3A_80 = tpu.matmul %reshape3A_78, %get3A_8, %dot_general3A_79 {dimension_numbers = #tpu.dot_dimension_numbers<[1], [0], [0], [1], [0, 0, 1, 1], [], []>, transpose_lhs_hint = false} : vector<512x2048xbf16>, vector<2048x768xbf16>, vector<512x768xf32> -> vector<512x768xf32>
    %slice3A_81 = vector.extract_strided_slice %get3A_2 {offsets = [0, 24, 0], sizes = [64, 8, 12], strides = [1, 1, 1]} : vector<64x40x12xf32> to vector<64x8x12xf32>
    %reshape3A_82 = vector.shape_cast %slice3A_81 : vector<64x8x12xf32> to vector<512x12xf32>
    %dot_general3A_83 = arith.constant dense<0.000000e+00> : vector<512x768xf32>
    %dot_general3A_84 = tpu.matmul %reshape3A_82, %get3A_11, %dot_general3A_83 {dimension_numbers = #tpu.dot_dimension_numbers<[1], [0], [0], [1], [0, 0, 1, 1], [], []>, transpose_lhs_hint = false} : vector<512x12xf32>, vector<12x768xf32>, vector<512x768xf32> -> vector<512x768xf32>
    %mul3A_85 = arith.mulf %dot_general3A_84, %dot_general3A_80 : vector<512x768xf32>
    %reshape3A_86 = vector.shape_cast %mul3A_85 : vector<512x768xf32> to vector<64x8x768xf32>
    %reduce_sum3A_87 = arith.constant dense<0.000000e+00> : vector<64x768xf32>
    %reduce_sum3A_88 = vector.multi_reduction <add>, %reshape3A_86, %reduce_sum3A_87 [1] : vector<64x8x768xf32> to vector<64x768xf32>
    %add3A_89 = arith.addf %add3A_68, %reduce_sum3A_88 : vector<64x768xf32>
    %get3A_90 = arith.constant 0 : index
    %get3A_91 = arith.constant 32 : index
    %get3A_92 = vector.load %arg2[%get3A_90, %get3A_91] : memref<64x40xi32, #tpu.memory_space<vmem>>, vector<64x8xi32>
    %broadcast_in_dim3A_93 = vector.shape_cast %get3A_92 : vector<64x8xi32> to vector<64x8x1xi32>
    %eq3A_94 = vector.broadcast %broadcast_in_dim3A_93 : vector<64x8x1xi32> to vector<64x8x2048xi32>
    %eq3A_95 = arith.cmpi eq, %iota3A, %eq3A_94 : vector<64x8x2048xi32>
    %convert_element_type3A_96 = arith.extui %eq3A_95 : vector<64x8x2048xi1> to vector<64x8x2048xi32>
    %convert_element_type3A_97 = arith.sitofp %convert_element_type3A_96 : vector<64x8x2048xi32> to vector<64x8x2048xf32>
    %convert_element_type3A_98 = arith.truncf %convert_element_type3A_97 : vector<64x8x2048xf32> to vector<64x8x2048xbf16>
    %reshape3A_99 = vector.shape_cast %convert_element_type3A_98 : vector<64x8x2048xbf16> to vector<512x2048xbf16>
    %dot_general3A_100 = arith.constant dense<0.000000e+00> : vector<512x768xf32>
    %dot_general3A_101 = tpu.matmul %reshape3A_99, %get3A_8, %dot_general3A_100 {dimension_numbers = #tpu.dot_dimension_numbers<[1], [0], [0], [1], [0, 0, 1, 1], [], []>, transpose_lhs_hint = false} : vector<512x2048xbf16>, vector<2048x768xbf16>, vector<512x768xf32> -> vector<512x768xf32>
    %slice3A_102 = vector.extract_strided_slice %get3A_2 {offsets = [0, 32, 0], sizes = [64, 8, 12], strides = [1, 1, 1]} : vector<64x40x12xf32> to vector<64x8x12xf32>
    %reshape3A_103 = vector.shape_cast %slice3A_102 : vector<64x8x12xf32> to vector<512x12xf32>
    %dot_general3A_104 = arith.constant dense<0.000000e+00> : vector<512x768xf32>
    %dot_general3A_105 = tpu.matmul %reshape3A_103, %get3A_11, %dot_general3A_104 {dimension_numbers = #tpu.dot_dimension_numbers<[1], [0], [0], [1], [0, 0, 1, 1], [], []>, transpose_lhs_hint = false} : vector<512x12xf32>, vector<12x768xf32>, vector<512x768xf32> -> vector<512x768xf32>
    %mul3A_106 = arith.mulf %dot_general3A_105, %dot_general3A_101 : vector<512x768xf32>
    %reshape3A_107 = vector.shape_cast %mul3A_106 : vector<512x768xf32> to vector<64x8x768xf32>
    %reduce_sum3A_108 = arith.constant dense<0.000000e+00> : vector<64x768xf32>
    %reduce_sum3A_109 = vector.multi_reduction <add>, %reshape3A_107, %reduce_sum3A_108 [1] : vector<64x8x768xf32> to vector<64x768xf32>
    %add3A_110 = arith.addf %add3A_89, %reduce_sum3A_109 : vector<64x768xf32>
    %swap3A_111 = arith.constant 0 : index
    %swap3A_112 = arith.constant 0 : index
    %swap3A_113 = vector.load %arg5[%swap3A_111, %swap3A_112] : memref<64x768xf32, #tpu.memory_space<vmem>>, vector<64x768xf32>
    tpu.vector_store %arg5[%swap3A_111, %swap3A_112], %add3A_110 {strides = array<i32>} : memref<64x768xf32, #tpu.memory_space<vmem>>, vector<64x768xf32>,
    return
  }
  func.func @transform_0(%arg0: i32) -> (i32, i32) {
    %c0_i32 = arith.constant 0 : i32
    %c0_i32_0 = arith.constant 0 : i32
    %c0_i32_1 = arith.constant 0 : i32
    return %c0_i32, %c0_i32_0 : i32, i32
  }
  func.func @transform_1(%arg0: i32) -> (i32, i32) {
    %c0_i32 = arith.constant 0 : i32
    %c0_i32_0 = arith.constant 0 : i32
    return %arg0, %c0_i32 : i32, i32
  }
  func.func @transform_2(%arg0: i32) -> (i32, i32, i32) {
    %c0_i32 = arith.constant 0 : i32
    %c0_i32_0 = arith.constant 0 : i32
    %c0_i32_1 = arith.constant 0 : i32
    return %arg0, %c0_i32, %c0_i32_0 : i32, i32, i32
  }
  func.func @transform_3(%arg0: i32) -> (i32, i32) {
    %c0_i32 = arith.constant 0 : i32
    %c0_i32_0 = arith.constant 0 : i32
    %c0_i32_1 = arith.constant 0 : i32
    return %c0_i32, %c0_i32_0 : i32, i32
  }
  func.func @transform_4(%arg0: i32) -> (i32, i32) {
    %c0_i32 = arith.constant 0 : i32
    %c0_i32_0 = arith.constant 0 : i32
    return %arg0, %c0_i32 : i32, i32
  }
  func.func @transform_5(%arg0: i32) -> (i32, i32, i32) {
    %c0_i32 = arith.constant 0 : i32
    %c0_i32_0 = arith.constant 0 : i32
    %c0_i32_1 = arith.constant 0 : i32
    return %arg0, %c0_i32, %c0_i32_0 : i32, i32, i32
  }
}

module attributes {stable_mosaic.version = 14 : i64} {
  func.func @_final_body(%arg0: i32, %arg1: memref<64x40x384xi32, #tpu.memory_space<vmem>>, %arg2: memref<64x40x12xf32, #tpu.memory_space<vmem>>, %arg3: memref<12x384xf32, #tpu.memory_space<vmem>>, %arg4: memref<12x384xf32, #tpu.memory_space<vmem>>, %arg5: memref<64x768xf32, #tpu.memory_space<vmem>>, %arg6: memref<64x35x12xf32, #tpu.memory_space<vmem>>) attributes {dimension_semantics = [#tpu.dimension_semantics<arbitrary>], iteration_bounds = array<i64: 20>, scalar_prefetch = 0 : i64, scratch_operands = 0 : i64, tpu.core_type = #tpu.core_type<tc>, window_params = [{transform_indices = @transform_0, window_bounds = array<i64: 64, 40, 384>}, {transform_indices = @transform_1, window_bounds = array<i64: 64, 40, 12>}, {pipeline_mode = #tpu.pipeline_mode<synchronous>, transform_indices = @transform_2, window_bounds = array<i64: 12, 384>}, {pipeline_mode = #tpu.pipeline_mode<synchronous>, transform_indices = @transform_3, window_bounds = array<i64: 12, 384>}, {transform_indices = @transform_4, window_bounds = array<i64: 64, 768>}, {transform_indices = @transform_5, window_bounds = array<i64: 64, 35, 12>}]} {
    %get3A = arith.constant 0 : index
    %get3A_0 = arith.constant 0 : index
    %get3A_1 = arith.constant 0 : index
    %get3A_2 = vector.load %arg2[%get3A, %get3A_0, %get3A_1] : memref<64x40x12xf32, #tpu.memory_space<vmem>>, vector<64x40x12xf32>
    %slice3A = vector.extract_strided_slice %get3A_2 {offsets = [0, 0, 0], sizes = [64, 35, 12], strides = [1, 1, 1]} : vector<64x40x12xf32> to vector<64x35x12xf32>
    %swap3A = arith.constant 0 : index
    %swap3A_3 = arith.constant 0 : index
    %swap3A_4 = arith.constant 0 : index
    %swap3A_5 = vector.load %arg6[%swap3A, %swap3A_3, %swap3A_4] : memref<64x35x12xf32, #tpu.memory_space<vmem>>, vector<64x35x12xf32>
    tpu.vector_store %arg6[%swap3A, %swap3A_3, %swap3A_4], %slice3A {strides = array<i32>} : memref<64x35x12xf32, #tpu.memory_space<vmem>>, vector<64x35x12xf32>,
    %get3A_6 = arith.constant 0 : index
    %get3A_7 = arith.constant 0 : index
    %get3A_8 = vector.load %arg3[%get3A_6, %get3A_7] : memref<12x384xf32, #tpu.memory_space<vmem>>, vector<12x384xf32>
    %get3A_9 = arith.constant 0 : index
    %get3A_10 = arith.constant 0 : index
    %get3A_11 = vector.load %arg4[%get3A_9, %get3A_10] : memref<12x384xf32, #tpu.memory_space<vmem>>, vector<12x384xf32>
    %broadcast_in_dim3A = arith.constant 0.000000e+00 : f32
    %broadcast_in_dim3A_12 = vector.broadcast %broadcast_in_dim3A : f32 to vector<64x384xf32>
    %broadcast_in_dim3A_13 = arith.constant 0.000000e+00 : f32
    %broadcast_in_dim3A_14 = vector.broadcast %broadcast_in_dim3A_13 : f32 to vector<64x384xf32>
    %get3A_15 = arith.constant 0 : index
    %get3A_16 = arith.constant 0 : index
    %get3A_17 = arith.constant 0 : index
    %get3A_18 = vector.load %arg1[%get3A_15, %get3A_16, %get3A_17] : memref<64x40x384xi32, #tpu.memory_space<vmem>>, vector<64x8x384xi32>
    %reshape3A = vector.shape_cast %get3A_18 : vector<64x8x384xi32> to vector<512x384xi32>
    %slice3A_19 = vector.extract_strided_slice %get3A_2 {offsets = [0, 0, 0], sizes = [64, 8, 12], strides = [1, 1, 1]} : vector<64x40x12xf32> to vector<64x8x12xf32>
    %reshape3A_20 = vector.shape_cast %slice3A_19 : vector<64x8x12xf32> to vector<512x12xf32>
    %dot_general3A = arith.constant dense<0.000000e+00> : vector<512x384xf32>
    %dot_general3A_21 = tpu.matmul %reshape3A_20, %get3A_8, %dot_general3A {dimension_numbers = #tpu.dot_dimension_numbers<[1], [0], [0], [1], [0, 0, 1, 1], [], []>, transpose_lhs_hint = false} : vector<512x12xf32>, vector<12x384xf32>, vector<512x384xf32> -> vector<512x384xf32>
    %dot_general3A_22 = arith.constant dense<0.000000e+00> : vector<512x384xf32>
    %dot_general3A_23 = tpu.matmul %reshape3A_20, %get3A_11, %dot_general3A_22 {dimension_numbers = #tpu.dot_dimension_numbers<[1], [0], [0], [1], [0, 0, 1, 1], [], []>, transpose_lhs_hint = false} : vector<512x12xf32>, vector<12x384xf32>, vector<512x384xf32> -> vector<512x384xf32>
    %and3A = arith.constant -65536 : i32
    %and3A_24 = vector.broadcast %and3A : i32 to vector<512x384xi32>
    %and3A_25 = arith.andi %reshape3A, %and3A_24 : vector<512x384xi32>
    %bitcast_convert_type3A = tpu.bitcast %and3A_25 : vector<512x384xi32> -> vector<512x384xf32>
    %mul3A = arith.mulf %dot_general3A_21, %bitcast_convert_type3A : vector<512x384xf32>
    %reshape3A_26 = vector.shape_cast %mul3A : vector<512x384xf32> to vector<64x8x384xf32>
    %reduce_sum3A = arith.constant dense<0.000000e+00> : vector<64x384xf32>
    %reduce_sum3A_27 = vector.multi_reduction <add>, %reshape3A_26, %reduce_sum3A [1] : vector<64x8x384xf32> to vector<64x384xf32>
    %add3A = arith.addf %broadcast_in_dim3A_12, %reduce_sum3A_27 : vector<64x384xf32>
    %shift_left3A = arith.constant 16 : i32
    %shift_left3A_28 = vector.broadcast %shift_left3A : i32 to vector<512x384xi32>
    %shift_left3A_29 = arith.shli %reshape3A, %shift_left3A_28 : vector<512x384xi32>
    %bitcast_convert_type3A_30 = tpu.bitcast %shift_left3A_29 : vector<512x384xi32> -> vector<512x384xf32>
    %mul3A_31 = arith.mulf %dot_general3A_23, %bitcast_convert_type3A_30 : vector<512x384xf32>
    %reshape3A_32 = vector.shape_cast %mul3A_31 : vector<512x384xf32> to vector<64x8x384xf32>
    %reduce_sum3A_33 = arith.constant dense<0.000000e+00> : vector<64x384xf32>
    %reduce_sum3A_34 = vector.multi_reduction <add>, %reshape3A_32, %reduce_sum3A_33 [1] : vector<64x8x384xf32> to vector<64x384xf32>
    %add3A_35 = arith.addf %broadcast_in_dim3A_14, %reduce_sum3A_34 : vector<64x384xf32>
    %get3A_36 = arith.constant 0 : index
    %get3A_37 = arith.constant 8 : index
    %get3A_38 = arith.constant 0 : index
    %get3A_39 = vector.load %arg1[%get3A_36, %get3A_37, %get3A_38] : memref<64x40x384xi32, #tpu.memory_space<vmem>>, vector<64x8x384xi32>
    %reshape3A_40 = vector.shape_cast %get3A_39 : vector<64x8x384xi32> to vector<512x384xi32>
    %slice3A_41 = vector.extract_strided_slice %get3A_2 {offsets = [0, 8, 0], sizes = [64, 8, 12], strides = [1, 1, 1]} : vector<64x40x12xf32> to vector<64x8x12xf32>
    %reshape3A_42 = vector.shape_cast %slice3A_41 : vector<64x8x12xf32> to vector<512x12xf32>
    %dot_general3A_43 = arith.constant dense<0.000000e+00> : vector<512x384xf32>
    %dot_general3A_44 = tpu.matmul %reshape3A_42, %get3A_8, %dot_general3A_43 {dimension_numbers = #tpu.dot_dimension_numbers<[1], [0], [0], [1], [0, 0, 1, 1], [], []>, transpose_lhs_hint = false} : vector<512x12xf32>, vector<12x384xf32>, vector<512x384xf32> -> vector<512x384xf32>
    %dot_general3A_45 = arith.constant dense<0.000000e+00> : vector<512x384xf32>
    %dot_general3A_46 = tpu.matmul %reshape3A_42, %get3A_11, %dot_general3A_45 {dimension_numbers = #tpu.dot_dimension_numbers<[1], [0], [0], [1], [0, 0, 1, 1], [], []>, transpose_lhs_hint = false} : vector<512x12xf32>, vector<12x384xf32>, vector<512x384xf32> -> vector<512x384xf32>
    %and3A_47 = arith.constant -65536 : i32
    %and3A_48 = vector.broadcast %and3A_47 : i32 to vector<512x384xi32>
    %and3A_49 = arith.andi %reshape3A_40, %and3A_48 : vector<512x384xi32>
    %bitcast_convert_type3A_50 = tpu.bitcast %and3A_49 : vector<512x384xi32> -> vector<512x384xf32>
    %mul3A_51 = arith.mulf %dot_general3A_44, %bitcast_convert_type3A_50 : vector<512x384xf32>
    %reshape3A_52 = vector.shape_cast %mul3A_51 : vector<512x384xf32> to vector<64x8x384xf32>
    %reduce_sum3A_53 = arith.constant dense<0.000000e+00> : vector<64x384xf32>
    %reduce_sum3A_54 = vector.multi_reduction <add>, %reshape3A_52, %reduce_sum3A_53 [1] : vector<64x8x384xf32> to vector<64x384xf32>
    %add3A_55 = arith.addf %add3A, %reduce_sum3A_54 : vector<64x384xf32>
    %shift_left3A_56 = arith.constant 16 : i32
    %shift_left3A_57 = vector.broadcast %shift_left3A_56 : i32 to vector<512x384xi32>
    %shift_left3A_58 = arith.shli %reshape3A_40, %shift_left3A_57 : vector<512x384xi32>
    %bitcast_convert_type3A_59 = tpu.bitcast %shift_left3A_58 : vector<512x384xi32> -> vector<512x384xf32>
    %mul3A_60 = arith.mulf %dot_general3A_46, %bitcast_convert_type3A_59 : vector<512x384xf32>
    %reshape3A_61 = vector.shape_cast %mul3A_60 : vector<512x384xf32> to vector<64x8x384xf32>
    %reduce_sum3A_62 = arith.constant dense<0.000000e+00> : vector<64x384xf32>
    %reduce_sum3A_63 = vector.multi_reduction <add>, %reshape3A_61, %reduce_sum3A_62 [1] : vector<64x8x384xf32> to vector<64x384xf32>
    %add3A_64 = arith.addf %add3A_35, %reduce_sum3A_63 : vector<64x384xf32>
    %get3A_65 = arith.constant 0 : index
    %get3A_66 = arith.constant 16 : index
    %get3A_67 = arith.constant 0 : index
    %get3A_68 = vector.load %arg1[%get3A_65, %get3A_66, %get3A_67] : memref<64x40x384xi32, #tpu.memory_space<vmem>>, vector<64x8x384xi32>
    %reshape3A_69 = vector.shape_cast %get3A_68 : vector<64x8x384xi32> to vector<512x384xi32>
    %slice3A_70 = vector.extract_strided_slice %get3A_2 {offsets = [0, 16, 0], sizes = [64, 8, 12], strides = [1, 1, 1]} : vector<64x40x12xf32> to vector<64x8x12xf32>
    %reshape3A_71 = vector.shape_cast %slice3A_70 : vector<64x8x12xf32> to vector<512x12xf32>
    %dot_general3A_72 = arith.constant dense<0.000000e+00> : vector<512x384xf32>
    %dot_general3A_73 = tpu.matmul %reshape3A_71, %get3A_8, %dot_general3A_72 {dimension_numbers = #tpu.dot_dimension_numbers<[1], [0], [0], [1], [0, 0, 1, 1], [], []>, transpose_lhs_hint = false} : vector<512x12xf32>, vector<12x384xf32>, vector<512x384xf32> -> vector<512x384xf32>
    %dot_general3A_74 = arith.constant dense<0.000000e+00> : vector<512x384xf32>
    %dot_general3A_75 = tpu.matmul %reshape3A_71, %get3A_11, %dot_general3A_74 {dimension_numbers = #tpu.dot_dimension_numbers<[1], [0], [0], [1], [0, 0, 1, 1], [], []>, transpose_lhs_hint = false} : vector<512x12xf32>, vector<12x384xf32>, vector<512x384xf32> -> vector<512x384xf32>
    %and3A_76 = arith.constant -65536 : i32
    %and3A_77 = vector.broadcast %and3A_76 : i32 to vector<512x384xi32>
    %and3A_78 = arith.andi %reshape3A_69, %and3A_77 : vector<512x384xi32>
    %bitcast_convert_type3A_79 = tpu.bitcast %and3A_78 : vector<512x384xi32> -> vector<512x384xf32>
    %mul3A_80 = arith.mulf %dot_general3A_73, %bitcast_convert_type3A_79 : vector<512x384xf32>
    %reshape3A_81 = vector.shape_cast %mul3A_80 : vector<512x384xf32> to vector<64x8x384xf32>
    %reduce_sum3A_82 = arith.constant dense<0.000000e+00> : vector<64x384xf32>
    %reduce_sum3A_83 = vector.multi_reduction <add>, %reshape3A_81, %reduce_sum3A_82 [1] : vector<64x8x384xf32> to vector<64x384xf32>
    %add3A_84 = arith.addf %add3A_55, %reduce_sum3A_83 : vector<64x384xf32>
    %shift_left3A_85 = arith.constant 16 : i32
    %shift_left3A_86 = vector.broadcast %shift_left3A_85 : i32 to vector<512x384xi32>
    %shift_left3A_87 = arith.shli %reshape3A_69, %shift_left3A_86 : vector<512x384xi32>
    %bitcast_convert_type3A_88 = tpu.bitcast %shift_left3A_87 : vector<512x384xi32> -> vector<512x384xf32>
    %mul3A_89 = arith.mulf %dot_general3A_75, %bitcast_convert_type3A_88 : vector<512x384xf32>
    %reshape3A_90 = vector.shape_cast %mul3A_89 : vector<512x384xf32> to vector<64x8x384xf32>
    %reduce_sum3A_91 = arith.constant dense<0.000000e+00> : vector<64x384xf32>
    %reduce_sum3A_92 = vector.multi_reduction <add>, %reshape3A_90, %reduce_sum3A_91 [1] : vector<64x8x384xf32> to vector<64x384xf32>
    %add3A_93 = arith.addf %add3A_64, %reduce_sum3A_92 : vector<64x384xf32>
    %get3A_94 = arith.constant 0 : index
    %get3A_95 = arith.constant 24 : index
    %get3A_96 = arith.constant 0 : index
    %get3A_97 = vector.load %arg1[%get3A_94, %get3A_95, %get3A_96] : memref<64x40x384xi32, #tpu.memory_space<vmem>>, vector<64x8x384xi32>
    %reshape3A_98 = vector.shape_cast %get3A_97 : vector<64x8x384xi32> to vector<512x384xi32>
    %slice3A_99 = vector.extract_strided_slice %get3A_2 {offsets = [0, 24, 0], sizes = [64, 8, 12], strides = [1, 1, 1]} : vector<64x40x12xf32> to vector<64x8x12xf32>
    %reshape3A_100 = vector.shape_cast %slice3A_99 : vector<64x8x12xf32> to vector<512x12xf32>
    %dot_general3A_101 = arith.constant dense<0.000000e+00> : vector<512x384xf32>
    %dot_general3A_102 = tpu.matmul %reshape3A_100, %get3A_8, %dot_general3A_101 {dimension_numbers = #tpu.dot_dimension_numbers<[1], [0], [0], [1], [0, 0, 1, 1], [], []>, transpose_lhs_hint = false} : vector<512x12xf32>, vector<12x384xf32>, vector<512x384xf32> -> vector<512x384xf32>
    %dot_general3A_103 = arith.constant dense<0.000000e+00> : vector<512x384xf32>
    %dot_general3A_104 = tpu.matmul %reshape3A_100, %get3A_11, %dot_general3A_103 {dimension_numbers = #tpu.dot_dimension_numbers<[1], [0], [0], [1], [0, 0, 1, 1], [], []>, transpose_lhs_hint = false} : vector<512x12xf32>, vector<12x384xf32>, vector<512x384xf32> -> vector<512x384xf32>
    %and3A_105 = arith.constant -65536 : i32
    %and3A_106 = vector.broadcast %and3A_105 : i32 to vector<512x384xi32>
    %and3A_107 = arith.andi %reshape3A_98, %and3A_106 : vector<512x384xi32>
    %bitcast_convert_type3A_108 = tpu.bitcast %and3A_107 : vector<512x384xi32> -> vector<512x384xf32>
    %mul3A_109 = arith.mulf %dot_general3A_102, %bitcast_convert_type3A_108 : vector<512x384xf32>
    %reshape3A_110 = vector.shape_cast %mul3A_109 : vector<512x384xf32> to vector<64x8x384xf32>
    %reduce_sum3A_111 = arith.constant dense<0.000000e+00> : vector<64x384xf32>
    %reduce_sum3A_112 = vector.multi_reduction <add>, %reshape3A_110, %reduce_sum3A_111 [1] : vector<64x8x384xf32> to vector<64x384xf32>
    %add3A_113 = arith.addf %add3A_84, %reduce_sum3A_112 : vector<64x384xf32>
    %shift_left3A_114 = arith.constant 16 : i32
    %shift_left3A_115 = vector.broadcast %shift_left3A_114 : i32 to vector<512x384xi32>
    %shift_left3A_116 = arith.shli %reshape3A_98, %shift_left3A_115 : vector<512x384xi32>
    %bitcast_convert_type3A_117 = tpu.bitcast %shift_left3A_116 : vector<512x384xi32> -> vector<512x384xf32>
    %mul3A_118 = arith.mulf %dot_general3A_104, %bitcast_convert_type3A_117 : vector<512x384xf32>
    %reshape3A_119 = vector.shape_cast %mul3A_118 : vector<512x384xf32> to vector<64x8x384xf32>
    %reduce_sum3A_120 = arith.constant dense<0.000000e+00> : vector<64x384xf32>
    %reduce_sum3A_121 = vector.multi_reduction <add>, %reshape3A_119, %reduce_sum3A_120 [1] : vector<64x8x384xf32> to vector<64x384xf32>
    %add3A_122 = arith.addf %add3A_93, %reduce_sum3A_121 : vector<64x384xf32>
    %get3A_123 = arith.constant 0 : index
    %get3A_124 = arith.constant 32 : index
    %get3A_125 = arith.constant 0 : index
    %get3A_126 = vector.load %arg1[%get3A_123, %get3A_124, %get3A_125] : memref<64x40x384xi32, #tpu.memory_space<vmem>>, vector<64x8x384xi32>
    %reshape3A_127 = vector.shape_cast %get3A_126 : vector<64x8x384xi32> to vector<512x384xi32>
    %slice3A_128 = vector.extract_strided_slice %get3A_2 {offsets = [0, 32, 0], sizes = [64, 8, 12], strides = [1, 1, 1]} : vector<64x40x12xf32> to vector<64x8x12xf32>
    %reshape3A_129 = vector.shape_cast %slice3A_128 : vector<64x8x12xf32> to vector<512x12xf32>
    %dot_general3A_130 = arith.constant dense<0.000000e+00> : vector<512x384xf32>
    %dot_general3A_131 = tpu.matmul %reshape3A_129, %get3A_8, %dot_general3A_130 {dimension_numbers = #tpu.dot_dimension_numbers<[1], [0], [0], [1], [0, 0, 1, 1], [], []>, transpose_lhs_hint = false} : vector<512x12xf32>, vector<12x384xf32>, vector<512x384xf32> -> vector<512x384xf32>
    %dot_general3A_132 = arith.constant dense<0.000000e+00> : vector<512x384xf32>
    %dot_general3A_133 = tpu.matmul %reshape3A_129, %get3A_11, %dot_general3A_132 {dimension_numbers = #tpu.dot_dimension_numbers<[1], [0], [0], [1], [0, 0, 1, 1], [], []>, transpose_lhs_hint = false} : vector<512x12xf32>, vector<12x384xf32>, vector<512x384xf32> -> vector<512x384xf32>
    %and3A_134 = arith.constant -65536 : i32
    %and3A_135 = vector.broadcast %and3A_134 : i32 to vector<512x384xi32>
    %and3A_136 = arith.andi %reshape3A_127, %and3A_135 : vector<512x384xi32>
    %bitcast_convert_type3A_137 = tpu.bitcast %and3A_136 : vector<512x384xi32> -> vector<512x384xf32>
    %mul3A_138 = arith.mulf %dot_general3A_131, %bitcast_convert_type3A_137 : vector<512x384xf32>
    %reshape3A_139 = vector.shape_cast %mul3A_138 : vector<512x384xf32> to vector<64x8x384xf32>
    %reduce_sum3A_140 = arith.constant dense<0.000000e+00> : vector<64x384xf32>
    %reduce_sum3A_141 = vector.multi_reduction <add>, %reshape3A_139, %reduce_sum3A_140 [1] : vector<64x8x384xf32> to vector<64x384xf32>
    %add3A_142 = arith.addf %add3A_113, %reduce_sum3A_141 : vector<64x384xf32>
    %shift_left3A_143 = arith.constant 16 : i32
    %shift_left3A_144 = vector.broadcast %shift_left3A_143 : i32 to vector<512x384xi32>
    %shift_left3A_145 = arith.shli %reshape3A_127, %shift_left3A_144 : vector<512x384xi32>
    %bitcast_convert_type3A_146 = tpu.bitcast %shift_left3A_145 : vector<512x384xi32> -> vector<512x384xf32>
    %mul3A_147 = arith.mulf %dot_general3A_133, %bitcast_convert_type3A_146 : vector<512x384xf32>
    %reshape3A_148 = vector.shape_cast %mul3A_147 : vector<512x384xf32> to vector<64x8x384xf32>
    %reduce_sum3A_149 = arith.constant dense<0.000000e+00> : vector<64x384xf32>
    %reduce_sum3A_150 = vector.multi_reduction <add>, %reshape3A_148, %reduce_sum3A_149 [1] : vector<64x8x384xf32> to vector<64x384xf32>
    %add3A_151 = arith.addf %add3A_122, %reduce_sum3A_150 : vector<64x384xf32>
    %concatenate3A = tpu.concatenate %add3A_142, %add3A_151 in 1 : vector<64x384xf32>, vector<64x384xf32> -> vector<64x768xf32>
    %swap3A_152 = arith.constant 0 : index
    %swap3A_153 = arith.constant 0 : index
    %swap3A_154 = vector.load %arg5[%swap3A_152, %swap3A_153] : memref<64x768xf32, #tpu.memory_space<vmem>>, vector<64x768xf32>
    tpu.vector_store %arg5[%swap3A_152, %swap3A_153], %concatenate3A {strides = array<i32>} : memref<64x768xf32, #tpu.memory_space<vmem>>, vector<64x768xf32>,
    return
  }
  func.func @transform_0(%arg0: i32) -> (i32, i32, i32) {
    %c0_i32 = arith.constant 0 : i32
    %c0_i32_0 = arith.constant 0 : i32
    %c0_i32_1 = arith.constant 0 : i32
    return %arg0, %c0_i32, %c0_i32_0 : i32, i32, i32
  }
  func.func @transform_1(%arg0: i32) -> (i32, i32, i32) {
    %c0_i32 = arith.constant 0 : i32
    %c0_i32_0 = arith.constant 0 : i32
    %c0_i32_1 = arith.constant 0 : i32
    return %arg0, %c0_i32, %c0_i32_0 : i32, i32, i32
  }
  func.func @transform_2(%arg0: i32) -> (i32, i32) {
    %c0_i32 = arith.constant 0 : i32
    %c0_i32_0 = arith.constant 0 : i32
    %c0_i32_1 = arith.constant 0 : i32
    return %c0_i32, %c0_i32_0 : i32, i32
  }
  func.func @transform_3(%arg0: i32) -> (i32, i32) {
    %c0_i32 = arith.constant 0 : i32
    %c0_i32_0 = arith.constant 0 : i32
    %c0_i32_1 = arith.constant 0 : i32
    return %c0_i32, %c0_i32_0 : i32, i32
  }
  func.func @transform_4(%arg0: i32) -> (i32, i32) {
    %c0_i32 = arith.constant 0 : i32
    %c0_i32_0 = arith.constant 0 : i32
    return %arg0, %c0_i32 : i32, i32
  }
  func.func @transform_5(%arg0: i32) -> (i32, i32, i32) {
    %c0_i32 = arith.constant 0 : i32
    %c0_i32_0 = arith.constant 0 : i32
    %c0_i32_1 = arith.constant 0 : i32
    return %arg0, %c0_i32, %c0_i32_0 : i32, i32, i32
  }
}

</mosaic_0001>

<sc_bundles>
// kernel: kernel.7.cloned.1.call-start
scs
__scs_entry_jumppad:
0x0: {  	(pc) =	sbr.rel $0x88, $3  }
0x1: {  	(tag) =	ssettag $0x0;
	lr =	simm.s32 $0x1  }
0x2: {  	[smem:$0x3F92] =	sst lr;
	_ =	strace $0xD0000000  }
0x3: {  	_ = 	snop  }
0x4: {  	_ = 	snop  }
0x5: {  	_ = 	snop  }
0x6: {  	_ = 	snop  }
0x7: {  	_ = 	snop  }
__scs_overlays_trampoline_lowered:
0x8: {  	[smem:$0x3FA1] =	sst s0  }
0x9: {  	[smem:$0x3FA2] =	sst s1  }
0xa: {  	[smem:$0x3FA3] =	sst s2  }
0xb: {  	[smem:$0x3FA4] =	sst s3  }
0xc: {  	[smem:$0x3FA5] =	sst s4  }
0xd: {  	[smem:$0x3FA6] =	sst s5  }
0xe: {  	[smem:$0x3FA7] =	sst s6  }
0xf: {  	[smem:$0x3FA8] =	sst s7  }
0x10: {  	[smem:$0x3FA9] =	sst s8  }
0x11: {  	[smem:$0x3FAA] =	sst s9;
	s0 =	simm.s32 @!p0 $0x0  }
0x12: {  	s1 =	sld [smem:$0x3F90];
	s0 =	simm.s32 @p0 $0x1  }
0x13: {  	[smem:$0x3FAB] =	sst s0;
	s0 =	simm.s32 @!p1 $0x0  }
0x14: {  	s2 =	sld [smem:$0x3F8F];
	s0 =	simm.s32 @p1 $0x1  }
0x15: {  	[smem:$0x3FAC] =	sst s0;
	s0 =	simm.s32 @!p2 $0x0  }
0x16: {  	s3 =	sld [smem:$0x3FDB];
	s0 =	simm.s32 @p2 $0x1  }
0x17: {  	s4 =	simm.s32 $0x1BF5;
	[smem:$0x3FAE] =	sst s0  }
0x18: {  	s0 =	sld [smem:$0x3F91];
	_ =	swait.ge [sflag:s4], $0x0  }
0x19: {  	s7 =	sld [smem:$0x3F92]  }
0x1a: {  	s8 =	sadd.s32 $0xFFFFE003, lr  }
0x1b: {  	s9 =	sadd.s32 $0xFFFFFEF7, lr;
	s5 =	simm.s32 $0xFFFFFFFF;
	p2 =	slt.u32 s8, $0xFFFFF086  }
0x1c: {  	p1 =	slt.u32 s9, $0xF7A;
	s5 =	simm.s32 @!p2 $0x0  }
0x1d: {  	s5 =	simm.s32 @p1 $0x1;
	p0 =	seq.s32 s7, s2  }
0x1e: {  	s7 =	smul.u32 @!p0 $0xF7A, s2;
	p2 =	seq.s32 @!p0 s5, $0x0  }
0x1f: {  	s9 =	smul.u32 $0xF7A, s1;
	s8 =	simm.s32 @!p0 $0x1BF5;
	p2 =	por !p2, p0  }
0x20: {  	[sflag:s8] =	ssyncset.s32 @!p0 $0xFFFFF086;
	s6 =	sadd.s32 @!p0 s3, s7;
	s7 =	simm.s32 @!p0 $0x108  }
0x21: {  	s3 =	sadd.s32 s3, s9;
	s6 =	sadd.s32 @!p0 $0x88, s6;
	s7 =	simm.s32 @p2 $0x1082  }
0x22: {  	[simem:s7], [sflag:s8] =	dma.local @!p0 [hbm:s6], $0xF7A  }
0x23: {  	s9 =	sor.u32 $0xD0000000, s2;
	s6 =	simm.s32 $0x108;
	_ =	swait.ge @!p0 [sflag:s8], $0x0  }
0x24: {  	s3 =	sadd.s32 $0x88, s3;
	s6 =	simm.s32 @!p1 $0x1082;
	[sflag:s4] =	ssyncset.s32 $0xFFFFF086  }
0x25: {  	[simem:s6], [sflag:s4] =	dma.local [hbm:s3], $0xF7A  }
0x26: {  	[smem:$0x3F92] =	sst s1;
	(tag) =	ssettag s2;
	_ =	strace s9  }
0x27: {  	s1 =	sld [smem:$0x3FA2]  }
0x28: {  	s2 =	sld [smem:$0x3FA3]  }
0x29: {  	s4 =	sld [smem:$0x3FA5]  }
0x2a: {  	p0 =	seq.s32 s5, $0x0;
	s5 =	sld [smem:$0x3FA6]  }
0x2b: {  	s6 =	sld [smem:$0x3FA7]  }
0x2c: {  	s7 =	sld [smem:$0x3FA8]  }
0x2d: {  	s3 =	simm.s32 $0x108;
	s8 =	sld [smem:$0x3FA9]  }
0x2e: {  	s3 =	simm.s32 @!p0 $0x1082;
	s9 =	sld [smem:$0x3FAA]  }
0x2f: {  	lr =	sadd.s32 s0, s3;
	s0 =	sld [smem:$0x3FA1]  }
0x30: {  	s3 =	sld [smem:$0x3FA4]  }
0x31: {  	[smem:$0x3FAD] =	sst s10  }
0x32: {  	s10 =	sld [smem:$0x3FAB];
	_ =	sdelay $0x3  }
0x33: {  	p0 =	seq.s32 s10, $0x1;
	s10 =	sld [smem:$0x3FAD];
	_ =	sdelay $0x3  }
0x34: {  	[smem:$0x3FAD] =	sst s10  }
0x35: {  	s10 =	sld [smem:$0x3FAC];
	_ =	sdelay $0x3  }
0x36: {  	p1 =	seq.s32 s10, $0x1;
	s10 =	sld [smem:$0x3FAD];
	_ =	sdelay $0x3  }
0x37: {  	[smem:$0x3FAD] =	sst s10  }
0x38: {  	s10 =	sld [smem:$0x3FAE]  }
0x39: {  	_ = 	snop;
	(pc) =	sbr.ind lr, $3  }
0x3a: {  	_ = 	snop  }
0x3b: {  	_ = 	snop  }
0x3c: {  	p2 =	seq.s32 s10, $0x1;
	s10 =	sld [smem:$0x3FAD]  }
0x3d: {  	_ =	shalt  }
0x3e: {  	_ =	shalt  }
0x3f: {  	_ =	shalt  }
0x40: {  	_ =	shalt  }
0x41: {  	_ =	shalt  }
0x42: {  	_ =	shalt  }
0x43: {  	_ =	shalt  }
0x44: {  	_ =	shalt  }
0x45: {  	_ =	shalt  }
0x46: {  	_ =	shalt  }
0x47: {  	_ =	shalt  }
0x48: {  	_ =	shalt  }
0x49: {  	_ =	shalt  }
0x4a: {  	_ =	shalt  }
0x4b: {  	_ =	shalt  }
0x4c: {  	_ =	shalt  }
0x4d: {  	_ =	shalt  }
0x4e: {  	_ =	shalt  }
0x4f: {  	_ =	shalt  }
0x50: {  	_ =	shalt  }
0x51: {  	_ =	shalt  }
0x52: {  	_ =	shalt  }
0x53: {  	_ =	shalt  }
0x54: {  	_ =	shalt  }
0x55: {  	_ =	shalt  }
0x56: {  	_ =	shalt  }
0x57: {  	_ =	shalt  }
0x58: {  	_ =	shalt  }
0x59: {  	_ =	shalt  }
0x5a: {  	_ =	shalt  }
0x5b: {  	_ =	shalt  }
0x5c: {  	_ =	shalt  }
0x5d: {  	_ =	shalt  }
0x5e: {  	_ =	shalt  }
0x5f: {  	_ =	shalt  }
0x60: {  	_ =	shalt  }
0x61: {  	_ =	shalt  }
0x62: {  	_ =	shalt  }
0x63: {  	_ =	shalt  }
0x64: {  	_ =	shalt  }
0x65: {  	_ =	shalt  }
0x66: {  	_ =	shalt  }
0x67: {  	_ =	shalt  }
0x68: {  	_ =	shalt  }
0x69: {  	_ =	shalt  }
0x6a: {  	_ =	shalt  }
0x6b: {  	_ =	shalt  }
0x6c: {  	_ =	shalt  }
0x6d: {  	_ =	shalt  }
0x6e: {  	_ =	shalt  }
0x6f: {  	_ =	shalt  }
0x70: {  	_ =	shalt  }
0x71: {  	_ =	shalt  }
0x72: {  	_ =	shalt  }
0x73: {  	_ =	shalt  }
0x74: {  	_ =	shalt  }
0x75: {  	_ =	shalt  }
0x76: {  	_ =	shalt  }
0x77: {  	_ =	shalt  }
0x78: {  	_ =	shalt  }
0x79: {  	_ =	shalt  }
0x7a: {  	_ =	shalt  }
0x7b: {  	_ =	shalt  }
0x7c: {  	_ =	shalt  }
0x7d: {  	_ =	shalt  }
0x7e: {  	_ =	shalt  }
0x7f: {  	_ =	shalt  }
0x80: {  	_ =	shalt  }
0x81: {  	_ =	shalt  }
0x82: {  	_ =	shalt  }
0x83: {  	_ =	shalt  }
0x84: {  	_ =	shalt  }
0x85: {  	_ =	shalt  }
0x86: {  	_ =	shalt  }
0x87: {  	_ =	shalt  }
.Lfunc_end0:
.L_simem_size_0:
called_computation_lowered:
.L_overlay_start_0:
0x88: {  	s2 =	sld [smem:$0x3FD9]  }
0x89: {  	s3 =	sld [smem:$0x3FFE];
	_ =	sdelay $0x1  }
0x8a: {  	s1 =	srdreg.scid  }
0x8b: {  	s0 =	sand.u32 $0x1, s1  }
0x8c: {  	s16 =	sshll.u32 s0, $0xA;
	s2 =	sadd.s32 s3, s2  }
0x8d: {  	s2 =	sadd.s32 s2, s16  }
0x8e: {  	[smem:$0x3FB9] =	sst s2  }
0x8f: {  	_ = 	snop  }
0x90: {  	(tm) =	ssettm $0x1  }
0x91: {  	s17 =	sld [smem:$0x3FFB];
	_ =	sdelay $0x3  }
0x92: {  	_ =	strace s17  }
0x93: {  	s2 =	sld [smem:$0x3FFC];
	_ =	sdelay $0x3  }
0x94: {  	_ =	strace s2  }
0x95: {  	s2 =	sld [smem:$0x3FFD];
	_ =	sdelay $0x3  }
0x96: {  	_ =	strace s2  }
0x97: {  	_ =	strace $0x8FFFFFFF  }
0x98: {  	s18 =	sld [smem:$0x3FDB];
	_ =	sdelay $0x1  }
0x99: {  	s19 =	simm.s32 $_scs_section_size  }
0x9a: {  	s4 =	simm.s32 $_size__tile_overlayer_lowered;
	s5 =	simm.s32 $_tile_overlayer_lowered  }
0x9b: {  	s22 =	simm.s32 $0x1BFF;
	s21 =	sshll.u32 s5, $0x1;
	s2 =	sadd.s32 s19, s18  }
0x9c: {  	s6 =	simm.s32 $0x0;
	s20 =	sshll.u32 s4, $0x1;
	s4 =	sadd.s32 s21, s2  }
0x9d: {  	[timem:s6], [sflag:s22] =	dma.local [hbm:s4], s20  }
0x9e: {  	_ =	swait.ge [sflag:s22], s20  }
0x9f: {  	s3 =	ssub.s32 $0x0, s20;
	[sflag:s22] =	ssyncset.done $0x0  }
0xa0: {  	[sflag:s22] =	ssyncadd.s32 s3;
	_ =	sdelay $0x1  }
0xa1: {  	s23 =	simm.s32 $0x1B8B  }
0xa2: {  	_ =	swait.ge [sflag:s23], $0x1  }
0xa3: {  	[sflag:s23] =	ssyncset.done $0x0  }
0xa4: {  	s25 =	simm.s32 $0x1B8E;
	s24 =	sld [smem:$0x3FFE];
	[sflag:s23] =	ssyncadd.s32 $0xFFFFFFFF  }
0xa5: {  	s26 =	simm.s32 $execute0_lowered;
	[smem:$0x3FD2] =	sst s25  }
0xa6: {  	s4 =	sshll.u32 s26, $0x1;
	_ =	strace $0x80000046;
	[dreg:$0x1] =	wrdreg $0xFFFFFFFF  }
0xa7: {  	s28 =	simm.s32 $_size_execute0_lowered;
	s2 =	sadd.s32 s2, s4;
	[dreg:$0x0] =	wrdreg $0x0  }
0xa8: {  	s4 =	sshll.u32 s28, $0x1;
	[dreg:$0x2] =	wrdreg s2  }
0xa9: {  	[dreg:$0x3] =	wrdreg s4  }
0xaa: {  	[dreg:$0x4] =	wrdreg $0xC0  }
0xab: {  	_ =	task [dreg:s6], $0x5FFFF  }
0xac: {  	[dreg:$0x1] =	wrdreg $0xFFFFFFFF  }
0xad: {  	[dreg:$0x0] =	wrdreg $0x60  }
0xae: {  	[dreg:$0x2] =	wrdreg s24  }
0xaf: {  	[dreg:$0x3] =	wrdreg $0x9  }
0xb0: {  	_ =	task.clear_ibuf [dreg:s6], $0x4FFFF;
	_ =	strace $0x90000046  }
0xb1: {  	s29 =	simm.s32 $0x9;
	_ =	strace $0x8000004F  }
0xb2: {  	_ =	swait.ge [sflag:s29], $0x1  }
0xb3: {  	[sflag:s29] =	ssyncadd.s32 $0xFFFFFFFF  }
0xb4: {  	_ =	strace $0x9000004F  }
0xb5: {  	_ =	sfence  }
0xb6: {  	s30 =	sld [smem:$0x0];
	_ =	sdelay $0x2  }
0xb7: {  	s31 =	sshll.u32 s1, $0xD;
	s1 =	sshrl.u32 s1, $0x2  }
0xb8: {  	s3 =	sand.u32 $0x4000, s31;
	s1 =	sadd.s32 s1, s30  }
0xb9: {  	s0 =	sor.u32 s3, s0;
	s1 =	sshll.u32 s1, $0x11  }
0xba: {  	s0 =	sor.u32 s1, s0  }
0xbb: {  	s0 =	sadd.s32 $0x8F2B, s0  }
0xbc: {  	[sflag:s0] =	ssyncadd.remote.s32 $0x1  }
0xbd: {  	_ =	sfence.sel $0xFFFF  }
0xbe: {  	[dreg:$0x0] =	wrdreg $0xFFFFFFFF;
	(pc) =	sbr.abs _section_cstart, $3  }
0xbf: {  	[dreg:$0x1] =	wrdreg $0xFFFFFFFF  }
0xc0: {  	_ =	task.clear_ibuf [dreg:s6], $0x2FFFF;
	_ =	strace $0x9FFFFFFF  }
0xc1: {  	(tm) =	ssettm $0x7FFFFFFF  }
tec
execute0_lowered:
.L_overlay_start_1:
0x0: {  	(tag) =	ssettag $0x1  }
0x1: {  	s0 =	srdreg.scid  }
0x2: {  	s9 =	rddreg [dreg:$0x0];
	s1 =	stileid.u32;
	s8 =	sand.u32 $0x1, s0  }
0x3: {  	s2 =	simm.s32 $0x0;
	s11 =	simm.s32 $0x5;
	s3 =	sshll.u32 s8, $0x4  }
0x4: {  	s12 =	simm.s32 $0x0;
	s0 =	rddreg [dreg:$0x1];
	s4 =	sor.u32 s1, s3  }
0x5: {  	[smem:$0x7FF] =	sst s2;
	s7 =	sadd.s32 $0x6E000, s9;
	s5 =	smul.u32 $0xC, s4  }
0x6: {  	_ =	strace $0x80000047;
	p0 =	seq.s32 s8, $0x0;
	s6 =	smul.u32 $0xD, s4  }
0x7: {  	s10 =	ssub.s32 $0x2, s8;
	[dreg:$0x2] =	wrdreg s7;
	s5 =	sadd.s32 $0x10, s5  }
0x8: {  	s3 =	sadd.s32 $0x3E000, s9;
	s30 =	sshrl.u32 s10, $0x1;
	s5 =	smov.u32 @p0 s6  }
0x9: {  	v2 =	vlaneseq.u32;
	s4 =	sadd.s32 $0xC600, s9;
	s10 =	ssub.s32 s10, s30;
	s31 =	sshll.u32 s5, $0x4  }
0xa: {  	vm0 =	vmmov $0xffff;
	vm1 =	vmmov $0xff;
	v1 =	vshrl.u32 v2, $0x3;
	s9 =	sadd.s32 $0x3E100, s9;
	s10 =	smax.u32 s10, $0x1;
	s7 =	sand.u32 $0x1FFFFFF0, s31  }
0xb: {  	v0 =	vand.u32 $0x7, v2;
	v2 =	vor.u32 $0x8, v2;
	v1 =	vmul.u32 $0x8, v1;
	s6 =	sxor.u32 $0xD, s8;
	s8 =	ssub.s32 $0xC, s8;
	s7 =	sadd.s32 s4, s7  }
.LBB2_1:
0xc: {  	_ =	strace $0x80000048;
	s14 =	simm.s32 $0x0  }
0xd: {  	s13 =	simm.s32 $0x0;
	s15 =	simm.s32 $0x0;
	s16 =	simm.s32 $0x0  }
0xe: {  	[tilespmem:s2], [sflag:$0x1] =	stream.linear.gather [hbm4b:s7+s2], $0x80, $0x200038;
	[tilespmem:$0x18100] =	vst v63  }
0xf: {  	s17 =	simm.s32 $0x1;
	s18 =	simm.s32 $0x0;
	_ =	strace $0x90000048  }
.LBB2_2:
0x10: {  	s19 =	smov.u32 s14;
	s14 =	sadd.s32 $0x1, s14  }
0x11: {  	p0 =	seq.s32 s14, s6  }
0x12: {  	s14 =	simm.s32 @p0 $0x0  }
0x13: {  	p6 =	slt.u32 s18, s8;
	p1 =	sne.s32 s19, s14  }
0x14: {  	p0 =	por !p6, !p1  }
0x15: {  	p0 =	por !p0, !p0  }
0x16: {  	s20 =	sadd.s32 @p0 s5, s14  }
0x17: {  	s21 =	sand.u32 @p0 $0x1, s17;
	s20 =	sshll.u32 @p0 s20, $0x4  }
0x18: {  	_ =	strace @p0 $0x80000049;
	s23 =	simm.s32 @p0 $0x0;
	s20 =	sand.u32 @p0 $0x1FFFFFF0, s20  }
0x19: {  	s22 =	sshll.u32 @p0 s21, $0x7;
	s21 =	sadd.s32 @p0 $0x1, s21;
	s20 =	sadd.s32 @p0 s4, s20  }
0x1a: {  	[tilespmem:s22], [sflag:s21] =	stream.linear.gather @p0 [hbm4b:s20+s23], $0x80, $0x200038;
	[tilespmem:$0x18100] =	vst v63  }
0x1b: {  	s23 =	sand.u32 $0x1, s16;
	_ =	strace @p0 $0x90000049  }
0x1c: {  	s20 =	sadd.s32 $0x1, s23;
	_ =	strace $0x8000004A  }
0x1d: {  	_ =	swait.ge [sflag:s20], $0x80  }
0x1e: {  	[sflag:s20] =	ssyncset.done $0x0  }
0x1f: {  	[sflag:s20] =	ssyncadd.s32 $0xFFFFFF80  }
0x20: {  	s24 =	sshll.u32 s16, $0x7;
	_ =	strace $0x9000004A  }
0x21: {  	s23 =	sand.u32 $0x80, s24;
	_ =	strace $0x8000004B  }
0x22: {  	v3 =	vld [tilespmem:s23+$0x0];
	_ =	sdelay $0x4  }
0x23: {  	v4 =	vshrl.u32 v3, $0x3  }
0x24: {  	v4 =	vmul.u32 $0x18, v4  }
0x25: {  	v3 =	vand.u32 $0x7, v3  }
0x26: {  	v3 =	vor.u32 v3, v4  }
0x27: {  	v4 =	vperm.xlane v3, v0;
	_ =	sdelay $0x1  }
0x28: {  	s20 =	sand.u32 $0x1, s15;
	v4 =	vadd.s32 v1, v4  }
0x29: {  	s25 =	smul.u32 $0x30000, s20  }
0x2a: {  	v3 =	vperm.xlane v3, v2  }
0x2b: {  	s22 =	sshrl.u32 s25, $0x2  }
0x2c: {  	s21 =	sor.u32 $0x100, s22;
	v3 =	vadd.s32 v1, v3  }
0x2d: {  	[tilespmem:s21], [sflag:$0x5] =	stream.indirect_vreg.gather [hbm4b:s3+s2], $0x80, v4, vm0, $0x2000b8;
	[tilespmem:$0x18100] =	vst v63  }
0x2e: {  	s24 =	sor.u32 $0x900, s22  }
0x2f: {  	[tilespmem:s24], [sflag:$0x5] =	stream.indirect_vreg.gather [hbm4b:s9+s2], $0x80, v4, vm1, $0x2000b8;
	[tilespmem:$0x18100] =	vst v63  }
0x30: {  	s26 =	sor.u32 $0xD00, s22  }
0x31: {  	[tilespmem:s26], [sflag:$0x5] =	stream.indirect_vreg.gather [hbm4b:s3+s2], $0x80, v3, vm0, $0x2000b8;
	[tilespmem:$0x18100] =	vst v63  }
0x32: {  	s28 =	sor.u32 $0x1500, s22  }
0x33: {  	[tilespmem:s28], [sflag:$0x5] =	stream.indirect_vreg.gather [hbm4b:s9+s2], $0x80, v3, vm1, $0x2000b8;
	[tilespmem:$0x18100] =	vst v63  }
0x34: {  	v3 =	vld [tilespmem:s23+$0x10];
	_ =	sdelay $0x4  }
0x35: {  	v57 =	vshrl.u32 v3, $0x3  }
0x36: {  	v4 =	vmul.u32 $0x18, v57  }
0x37: {  	v3 =	vand.u32 $0x7, v3  }
0x38: {  	v3 =	vor.u32 v3, v4  }
0x39: {  	v4 =	vperm.xlane v3, v0;
	_ =	sdelay $0x1  }
0x3a: {  	v4 =	vadd.s32 v1, v4;
	_ =	sdelay $0x1  }
0x3b: {  	v3 =	vperm.xlane v3, v2;
	_ =	sdelay $0x1  }
0x3c: {  	s29 =	sor.u32 $0x1900, s22;
	v3 =	vadd.s32 v1, v3  }
0x3d: {  	[tilespmem:s29], [sflag:$0x5] =	stream.indirect_vreg.gather [hbm4b:s3+s2], $0x80, v4, vm0, $0x2000b8;
	[tilespmem:$0x18100] =	vst v63  }
0x3e: {  	s30 =	sor.u32 $0x2100, s22  }
0x3f: {  	[tilespmem:s30], [sflag:$0x5] =	stream.indirect_vreg.gather [hbm4b:s9+s2], $0x80, v4, vm1, $0x2000b8;
	[tilespmem:$0x18100] =	vst v63  }
0x40: {  	s31 =	sor.u32 $0x2500, s22  }
0x41: {  	[tilespmem:s31], [sflag:$0x5] =	stream.indirect_vreg.gather [hbm4b:s3+s2], $0x80, v3, vm0, $0x2000b8;
	[tilespmem:$0x18100] =	vst v63  }
0x42: {  	s25 =	sor.u32 $0x2D00, s22  }
0x43: {  	[tilespmem:s25], [sflag:$0x5] =	stream.indirect_vreg.gather [hbm4b:s9+s2], $0x80, v3, vm1, $0x2000b8;
	[tilespmem:$0x18100] =	vst v63  }
0x44: {  	v3 =	vld [tilespmem:s23+$0x20];
	_ =	sdelay $0x4  }
0x45: {  	v58 =	vshrl.u32 v3, $0x3  }
0x46: {  	v4 =	vmul.u32 $0x18, v58  }
0x47: {  	v3 =	vand.u32 $0x7, v3  }
0x48: {  	v3 =	vor.u32 v3, v4  }
0x49: {  	v4 =	vperm.xlane v3, v0;
	_ =	sdelay $0x1  }
0x4a: {  	v4 =	vadd.s32 v1, v4;
	_ =	sdelay $0x1  }
0x4b: {  	v3 =	vperm.xlane v3, v2;
	_ =	sdelay $0x1  }
0x4c: {  	s26 =	sor.u32 $0x3100, s22;
	v3 =	vadd.s32 v1, v3  }
0x4d: {  	[tilespmem:s26], [sflag:$0x5] =	stream.indirect_vreg.gather [hbm4b:s3+s2], $0x80, v4, vm0, $0x2000b8;
	[tilespmem:$0x18100] =	vst v63  }
0x4e: {  	s28 =	sor.u32 $0x3900, s22  }
0x4f: {  	[tilespmem:s28], [sflag:$0x5] =	stream.indirect_vreg.gather [hbm4b:s9+s2], $0x80, v4, vm1, $0x2000b8;
	[tilespmem:$0x18100] =	vst v63  }
0x50: {  	s29 =	sor.u32 $0x3D00, s22  }
0x51: {  	[tilespmem:s29], [sflag:$0x5] =	stream.indirect_vreg.gather [hbm4b:s3+s2], $0x80, v3, vm0, $0x2000b8;
	[tilespmem:$0x18100] =	vst v63  }
0x52: {  	s30 =	sadd.s32 $0x4500, s22  }
0x53: {  	[tilespmem:s30], [sflag:$0x5] =	stream.indirect_vreg.gather [hbm4b:s9+s2], $0x80, v3, vm1, $0x2000b8;
	[tilespmem:$0x18100] =	vst v63  }
0x54: {  	v3 =	vld [tilespmem:s23+$0x30];
	_ =	sdelay $0x4  }
0x55: {  	v59 =	vshrl.u32 v3, $0x3  }
0x56: {  	v4 =	vmul.u32 $0x18, v59  }
0x57: {  	v3 =	vand.u32 $0x7, v3  }
0x58: {  	v3 =	vor.u32 v3, v4  }
0x59: {  	v4 =	vperm.xlane v3, v0;
	_ =	sdelay $0x1  }
0x5a: {  	v4 =	vadd.s32 v1, v4;
	_ =	sdelay $0x1  }
0x5b: {  	v3 =	vperm.xlane v3, v2;
	_ =	sdelay $0x1  }
0x5c: {  	s31 =	sadd.s32 $0x4900, s22;
	v3 =	vadd.s32 v1, v3  }
0x5d: {  	[tilespmem:s31], [sflag:$0x5] =	stream.indirect_vreg.gather [hbm4b:s3+s2], $0x80, v4, vm0, $0x2000b8;
	[tilespmem:$0x18100] =	vst v63  }
0x5e: {  	s25 =	sadd.s32 $0x5100, s22  }
0x5f: {  	[tilespmem:s25], [sflag:$0x5] =	stream.indirect_vreg.gather [hbm4b:s9+s2], $0x80, v4, vm1, $0x2000b8;
	[tilespmem:$0x18100] =	vst v63  }
0x60: {  	s26 =	sadd.s32 $0x5500, s22  }
0x61: {  	[tilespmem:s26], [sflag:$0x5] =	stream.indirect_vreg.gather [hbm4b:s3+s2], $0x80, v3, vm0, $0x2000b8;
	[tilespmem:$0x18100] =	vst v63  }
0x62: {  	s28 =	sadd.s32 $0x5D00, s22  }
0x63: {  	[tilespmem:s28], [sflag:$0x5] =	stream.indirect_vreg.gather [hbm4b:s9+s2], $0x80, v3, vm1, $0x2000b8;
	[tilespmem:$0x18100] =	vst v63  }
0x64: {  	v3 =	vld [tilespmem:s23+$0x40];
	_ =	sdelay $0x4  }
0x65: {  	v60 =	vshrl.u32 v3, $0x3  }
0x66: {  	v4 =	vmul.u32 $0x18, v60  }
0x67: {  	v3 =	vand.u32 $0x7, v3  }
0x68: {  	v3 =	vor.u32 v3, v4  }
0x69: {  	v4 =	vperm.xlane v3, v0;
	_ =	sdelay $0x1  }
0x6a: {  	v4 =	vadd.s32 v1, v4;
	_ =	sdelay $0x1  }
0x6b: {  	v3 =	vperm.xlane v3, v2;
	_ =	sdelay $0x1  }
0x6c: {  	s29 =	sadd.s32 $0x6100, s22;
	v3 =	vadd.s32 v1, v3  }
0x6d: {  	[tilespmem:s29], [sflag:$0x5] =	stream.indirect_vreg.gather [hbm4b:s3+s2], $0x80, v4, vm0, $0x2000b8;
	[tilespmem:$0x18100] =	vst v63  }
0x6e: {  	s30 =	sadd.s32 $0x6900, s22  }
0x6f: {  	[tilespmem:s30], [sflag:$0x5] =	stream.indirect_vreg.gather [hbm4b:s9+s2], $0x80, v4, vm1, $0x2000b8;
	[tilespmem:$0x18100] =	vst v63  }
0x70: {  	s31 =	sadd.s32 $0x6D00, s22  }
0x71: {  	[tilespmem:s31], [sflag:$0x5] =	stream.indirect_vreg.gather [hbm4b:s3+s2], $0x80, v3, vm0, $0x2000b8;
	[tilespmem:$0x18100] =	vst v63  }
0x72: {  	s25 =	sadd.s32 $0x7500, s22  }
0x73: {  	[tilespmem:s25], [sflag:$0x5] =	stream.indirect_vreg.gather [hbm4b:s9+s2], $0x80, v3, vm1, $0x2000b8;
	[tilespmem:$0x18100] =	vst v63  }
0x74: {  	v3 =	vld [tilespmem:s23+$0x50];
	_ =	sdelay $0x4  }
0x75: {  	v61 =	vshrl.u32 v3, $0x3  }
0x76: {  	v4 =	vmul.u32 $0x18, v61  }
0x77: {  	v3 =	vand.u32 $0x7, v3  }
0x78: {  	v3 =	vor.u32 v3, v4  }
0x79: {  	v4 =	vperm.xlane v3, v0;
	_ =	sdelay $0x1  }
0x7a: {  	v4 =	vadd.s32 v1, v4;
	_ =	sdelay $0x1  }
0x7b: {  	v3 =	vperm.xlane v3, v2;
	_ =	sdelay $0x1  }
0x7c: {  	s26 =	sadd.s32 $0x7900, s22;
	v3 =	vadd.s32 v1, v3  }
0x7d: {  	[tilespmem:s26], [sflag:$0x5] =	stream.indirect_vreg.gather [hbm4b:s3+s2], $0x80, v4, vm0, $0x2000b8;
	[tilespmem:$0x18100] =	vst v63  }
0x7e: {  	s28 =	sadd.s32 $0x8100, s22  }
0x7f: {  	[tilespmem:s28], [sflag:$0x5] =	stream.indirect_vreg.gather [hbm4b:s9+s2], $0x80, v4, vm1, $0x2000b8;
	[tilespmem:$0x18100] =	vst v63  }
0x80: {  	s29 =	sadd.s32 $0x8500, s22  }
0x81: {  	[tilespmem:s29], [sflag:$0x5] =	stream.indirect_vreg.gather [hbm4b:s3+s2], $0x80, v3, vm0, $0x2000b8;
	[tilespmem:$0x18100] =	vst v63  }
0x82: {  	s30 =	sadd.s32 $0x8D00, s22  }
0x83: {  	[tilespmem:s30], [sflag:$0x5] =	stream.indirect_vreg.gather [hbm4b:s9+s2], $0x80, v3, vm1, $0x2000b8;
	[tilespmem:$0x18100] =	vst v63  }
0x84: {  	v3 =	vld [tilespmem:s23+$0x60];
	_ =	sdelay $0x4  }
0x85: {  	v62 =	vshrl.u32 v3, $0x3  }
0x86: {  	v4 =	vmul.u32 $0x18, v62  }
0x87: {  	v3 =	vand.u32 $0x7, v3  }
0x88: {  	v3 =	vor.u32 v3, v4  }
0x89: {  	v4 =	vperm.xlane v3, v0;
	_ =	sdelay $0x1  }
0x8a: {  	v4 =	vadd.s32 v1, v4;
	_ =	sdelay $0x1  }
0x8b: {  	v3 =	vperm.xlane v3, v2;
	_ =	sdelay $0x1  }
0x8c: {  	s31 =	sadd.s32 $0x9100, s22;
	v3 =	vadd.s32 v1, v3  }
0x8d: {  	[tilespmem:s31], [sflag:$0x5] =	stream.indirect_vreg.gather [hbm4b:s3+s2], $0x80, v4, vm0, $0x2000b8;
	[tilespmem:$0x18100] =	vst v63  }
0x8e: {  	s25 =	sadd.s32 $0x9900, s22  }
0x8f: {  	[tilespmem:s25], [sflag:$0x5] =	stream.indirect_vreg.gather [hbm4b:s9+s2], $0x80, v4, vm1, $0x2000b8;
	[tilespmem:$0x18100] =	vst v63  }
0x90: {  	s26 =	sadd.s32 $0x9D00, s22  }
0x91: {  	[tilespmem:s26], [sflag:$0x5] =	stream.indirect_vreg.gather [hbm4b:s3+s2], $0x80, v3, vm0, $0x2000b8;
	[tilespmem:$0x18100] =	vst v63  }
0x92: {  	s28 =	sadd.s32 $0xA500, s22  }
0x93: {  	[tilespmem:s28], [sflag:$0x5] =	stream.indirect_vreg.gather [hbm4b:s9+s2], $0x80, v3, vm1, $0x2000b8;
	[tilespmem:$0x18100] =	vst v63  }
0x94: {  	v3 =	vld [tilespmem:s23+$0x70];
	_ =	sdelay $0x4  }
0x95: {  	v63 =	vshrl.u32 v3, $0x3  }
0x96: {  	v4 =	vmul.u32 $0x18, v63  }
0x97: {  	v3 =	vand.u32 $0x7, v3  }
0x98: {  	v3 =	vor.u32 v3, v4  }
0x99: {  	v4 =	vperm.xlane v3, v0;
	_ =	sdelay $0x1  }
0x9a: {  	v4 =	vadd.s32 v1, v4;
	_ =	sdelay $0x1  }
0x9b: {  	v3 =	vperm.xlane v3, v2;
	_ =	sdelay $0x1  }
0x9c: {  	s29 =	sadd.s32 $0xA900, s22;
	v3 =	vadd.s32 v1, v3  }
0x9d: {  	[tilespmem:s29], [sflag:$0x5] =	stream.indirect_vreg.gather [hbm4b:s3+s2], $0x80, v4, vm0, $0x2000b8;
	[tilespmem:$0x18100] =	vst v63  }
0x9e: {  	s30 =	sadd.s32 $0xB100, s22  }
0x9f: {  	[tilespmem:s30], [sflag:$0x5] =	stream.indirect_vreg.gather [hbm4b:s9+s2], $0x80, v4, vm1, $0x2000b8;
	[tilespmem:$0x18100] =	vst v63  }
0xa0: {  	s31 =	sadd.s32 $0xB500, s22  }
0xa1: {  	[tilespmem:s31], [sflag:$0x5] =	stream.indirect_vreg.gather [hbm4b:s3+s2], $0x80, v3, vm0, $0x2000b8;
	[tilespmem:$0x18100] =	vst v63  }
0xa2: {  	s22 =	sadd.s32 $0xBD00, s22  }
0xa3: {  	[tilespmem:s22], [sflag:$0x5] =	stream.indirect_vreg.gather [hbm4b:s9+s2], $0x80, v3, vm1, $0x2000b8;
	[tilespmem:$0x18100] =	vst v63  }
0xa4: {  	_ =	swait.ge [sflag:s11], $0xC000  }
0xa5: {  	[sflag:s11] =	ssyncset.done $0x0  }
0xa6: {  	p2 =	seq.s32 s8, s18;
	[sflag:s11] =	ssyncadd.s32 $0xFFFF4000  }
0xa7: {  	s19 =	sadd.s32 s5, s19;
	p1 =	por p2, p1;
	_ =	strace $0x9000004B  }
0xa8: {  	s19 =	smul.u32 @p1 $0x1800, s19;
	s23 =	simm.s32 $0x1;
	_ =	strace @p1 $0x8000004C  }
0xa9: {  	s20 =	sadd.s32 @p1 $0x3, s20;
	s23 =	simm.s32 @!p0 $0x0;
	s22 =	rddreg [dreg:$0x2]  }
0xaa: {  	p0 =	seq.s32 s18, $0x0;
	s19 =	sadd.s32 @p1 s22, s19;
	s22 =	simm.s32 @p1 $0x0  }
0xab: {  	[hbm4b:s19+s22] =	stream.linear.scatter @p1 [tilespmem:s21], [sflag:s20], $0xC000, $0x200038;
	[tilespmem:$0x18100] =	vst v63  }
0xac: {  	s19 =	simm.s32 $0x1;
	s21 =	simm.s32 $0x1;
	_ =	strace @p1 $0x9000004C  }
0xad: {  	s19 =	simm.s32 @!p1 $0x0;
	p1 =	sne.s32 s18, $0x0;
	s18 =	sadd.s32 $0x1, s18  }
0xae: {  	s20 =	sand.u32 @!p0 $0x1, s13;
	s21 =	simm.s32 @!p1 $0x0;
	p1 =	sne.s32 s6, s18  }
.Ltmp0:
0xaf: {  	s20 =	sadd.s32 @!p0 $0x3, s20;
	_ =	strace @!p0 $0x8000004D;
	(pc) =	sbr.rel @p1 .LBB2_2-.Ltmp0, $4  }
0xb0: {  	_ =	swait.ge @!p0 [sflag:s20], $0xC000  }
0xb1: {  	[sflag:s20] =	ssyncset.done @!p0 $0x0  }
0xb2: {  	s17 =	sadd.s32 s23, s17;
	s15 =	sadd.s32 s19, s15;
	[sflag:s20] =	ssyncadd.s32 @!p0 $0xFFFF4000  }
0xb3: {  	s16 =	sadd.s32 s19, s16;
	s13 =	sadd.s32 s21, s13;
	_ =	strace @!p0 $0x9000004D  }
0xb4: {  	s12 =	sadd.s32 $0x1, s12  }
0xb5: {  	s13 =	sand.u32 $0x1, s13;
	p0 =	sne.s32 s12, s10  }
.Ltmp1:
0xb6: {  	_ =	strace $0x8000004E;
	s13 =	sadd.s32 $0x3, s13;
	(pc) =	sbr.rel @p0 .LBB2_1-.Ltmp1, $4  }
0xb7: {  	_ =	swait.ge [sflag:s13], $0xC000  }
0xb8: {  	[sflag:s13] =	ssyncset.done $0x0  }
0xb9: {  	[sflag:s13] =	ssyncadd.s32 $0xFFFF4000  }
0xba: {  	_ =	strace $0x9000004E  }
0xbb: {  	_ =	sfence.sel $0x180000  }
0xbc: {  	[bflag:$0x0] =	sbarrier.arrive $0xFFFF  }
0xbd: {  	p0 =	sne.s32 s1, $0x0;
	_ =	strace $0x90000047  }
0xbe: {  	s0 =	sadd.s32 @!p0 $0x100000, s0;
	[bflag:$0x2] =	sbarrier.arrive $0xFFFF  }
0xbf: {  	[sflag:s0] =	ssyncadd.tile.s32 @!p0 $0x1;
	_ =	shalt  }
.Lfunc_end2:
_tile_overlayer_lowered:
.L_overlay_start_2:
0xc0: {  	(tag) =	ssettag $0x2  }
0xc1: {  	s0 =	rddreg [dreg:$0x0];
	s2 =	stileid.u32  }
0xc2: {  	s1 =	rddreg [dreg:$0x1];
	p0 =	sne.s32 s2, $0x0  }
0xc3: {  	s3 =	rddreg [dreg:$0x2];
	[bflag:$0x3] =	sbarrier.arrive $0xFFFF;
	s2 =	simm.s32 @!p0 $0x1C01  }
0xc4: {  	[timem:s3], [sflag:s2] =	dma.local @!p0 [hbm:s0], s1  }
0xc5: {  	s0 =	simm.s32 @!p0 $0x1  }
0xc6: {  	_ =	swait.ge @!p0 [sflag:s0], s1  }
0xc7: {  	s1 =	ssub.s32 @!p0 $0x0, s1;
	[sflag:s0] =	ssyncset.done @!p0 $0x0  }
0xc8: {  	[sflag:s0] =	ssyncadd.s32 @!p0 s1  }
0xc9: {  	[bflag:$0x3] =	sbarrier.arrive $0xFFFF  }
0xca: {  	_ =	shalt  }

</sc_bundles>
